<compile_context>
chip_gen: v7x
topology: tpu7x:2x2x1
jax: 0.10.2.dev20260603
libtpu: 0.0.44.dev20260713+nightly
codegen_flags: <defaults>
</compile_context>

<pallas_src>
import functools

import jax
import jax.numpy as jnp
import numpy as np
from jax.experimental import pallas as pl
from jax.experimental.pallas import tpu as pltpu

_ALPHA_INIT = 1e-6
_ACT_SHIFT = float(np.log(1.0 / (1.0 - _ALPHA_INIT) - 1.0))
_INTERVAL = 0.5
_INF = float("inf")

_L = 128
_R = 500


def _shift_down(y, k, fill):
    pad = jnp.full((k, y.shape[1]), fill, y.dtype)
    return jnp.concatenate([pad, y[:-k]], axis=0)


def _shift_right(z, k, fill):
    pad = jnp.full((z.shape[0], k), fill, z.dtype)
    return jnp.concatenate([pad, z[:, :-k]], axis=1)


def _body(d_ref, rid_ref, rprev_ref, w_ref, lv_ref, carry):
    step = pl.program_id(0)

    @pl.when(step == 0)
    def _init():
        carry[0] = 0.0
        carry[1] = _INF

    d = d_ref[0]
    rid = rid_ref[0]
    rprev = rprev_ref[0]

    raw = d + _ACT_SHIFT
    sp = jnp.where(raw > 0, raw, 0.0) + jnp.log1p(jnp.exp(-jnp.abs(raw)))
    alpha = 1.0 - jnp.exp(-sp * _INTERVAL)
    alpha_c = jnp.clip(alpha, 0.0, 1.0 - 1e-6)
    log_t = jnp.log1p(-alpha_c)

    ri = jax.lax.broadcasted_iota(jnp.int32, (_R, _R), 0)
    ci = jax.lax.broadcasted_iota(jnp.int32, (_R, _R), 1)
    tri = (ri >= ci).astype(jnp.float32)
    incl_col = jnp.dot(tri, log_t, preferred_element_type=jnp.float32)
    col_tot = incl_col[_R - 1:_R, :]
    lk = jax.lax.broadcasted_iota(jnp.int32, (_L, _L), 0)
    lj = jax.lax.broadcasted_iota(jnp.int32, (_L, _L), 1)
    ustrict = (lk < lj).astype(jnp.float32)
    col_pref = jnp.dot(col_tot, ustrict,
                       preferred_element_type=jnp.float32)
    carry_c = carry[0]
    c = incl_col + col_pref + carry_c
    excl = c - log_t

    is_first = rid != rprev

    m = jnp.where(is_first, excl, _INF)
    y = m
    k = 1
    while k < _R:
        y = jnp.minimum(y, _shift_down(y, k, _INF))
        k *= 2
    colm = y[_R - 1:_R, :]
    z = _shift_right(colm, 1, _INF)
    k = 1
    while k < _L:
        z = jnp.minimum(z, _shift_right(z, k, _INF))
        k *= 2
    s = jnp.minimum(jnp.minimum(y, z), carry[1])

    t_excl = jnp.exp(excl - s)
    w_ref[0] = alpha_c * t_excl
    lv_ref[0] = jnp.exp(c - s)

    carry[0] = carry_c + jnp.sum(log_t)
    carry[1] = jnp.minimum(carry[1], jnp.min(m))


def kernel(density, ray_id, n_rays):
    n_out = 100_000
    n = density.shape[0]
    s_chunk = _R * _L
    c_chunks = n // s_chunk
    assert c_chunks * s_chunk == n, "shape must tile into (C, R, L)"

    ray_id = jnp.minimum(ray_id, jnp.asarray(n_rays, ray_id.dtype) - 1)
    ray_id = jnp.minimum(ray_id, jnp.int32(n_out - 1))
    ray_prev = jnp.concatenate(
        [jnp.full((1,), -1, jnp.int32), ray_id[:-1]])

    def cm(x):
        return x.reshape(c_chunks, _L, _R).swapaxes(1, 2)

    blk = pl.BlockSpec((1, _R, _L), lambda i: (i, 0, 0))
    w_cm, lv_cm = pl.pallas_call(
        _body,
        grid=(c_chunks,),
        in_specs=[blk, blk, blk],
        out_specs=[blk, blk],
        out_shape=[
            jax.ShapeDtypeStruct((c_chunks, _R, _L), jnp.float32),
            jax.ShapeDtypeStruct((c_chunks, _R, _L), jnp.float32),
        ],
        scratch_shapes=[pltpu.SMEM((2,), jnp.float32)],
        compiler_params=pltpu.CompilerParams(
            dimension_semantics=("arbitrary",)),
    )(cm(density), cm(ray_id), cm(ray_prev))

    weights = w_cm.swapaxes(1, 2).reshape(n)
    lv = lv_cm.swapaxes(1, 2).reshape(n)
    p = jnp.searchsorted(ray_id, jnp.arange(n_out, dtype=ray_id.dtype),
                         side="right") - 1
    pc = jnp.maximum(p, 0)
    hit = (p >= 0) & (ray_id[pc] == jnp.arange(n_out, dtype=ray_id.dtype))
    alphainv_last = jnp.where(hit, lv[pc], 1.0)
    return weights, alphainv_last

# --- scband reference (transcript-rebuilt; emitter-appended) ---
"""Pipeline reference for scband-voxel-model-31774168055891 (READ-ONLY COPY).

The authoritative reference and input builder live on the scoring server;
editing this copy changes nothing except your own understanding.
"""

import jax, jax.numpy as jnp
import numpy as np

N_SAMPLES = 6_400_000
N_RAYS = 100_000
ALPHA_INIT = 1e-6
ACT_SHIFT = float(np.log(1.0 / (1.0 - ALPHA_INIT) - 1.0))
INTERVAL = 0.5


def setup_inputs(seed: int = 0) -> dict:
    key = jax.random.key(seed)
    k1, k2 = jax.random.split(key)
    density = jax.random.normal(k1, (N_SAMPLES,), dtype=jnp.float32)
    ray_id = jnp.sort(jax.random.randint(k2, (N_SAMPLES,), 0, N_RAYS, dtype=jnp.int32))
    return {"density": density, "ray_id": ray_id, "n_rays": N_RAYS}


def reference(density, ray_id, n_rays):
    # Raw2Alpha: alpha = 1 - exp(-softplus(density + shift) * interval)
    raw = density + ACT_SHIFT
    alpha = 1.0 - jnp.exp(-jax.nn.softplus(raw) * INTERVAL)
    alpha_c = jnp.clip(alpha, 0.0, 1.0 - 1e-6)

    # Alphas2Weights: per-ray (segment) exclusive cumprod of (1 - alpha)
    # done in log space with a global cumsum rebased at each segment start.
    log_t = jnp.log1p(-alpha_c)                    # log(1 - alpha) <= 0
    c = jnp.cumsum(log_t)                          # inclusive global cumsum (non-increasing)
    excl = c - log_t                               # exclusive global cumsum
    # value of excl at the first sample of each ray == segment max (excl non-increasing)
    ray_id = jnp.minimum(ray_id, jnp.asarray(n_rays, dtype=ray_id.dtype) - 1)
    seg_first = jax.ops.segment_max(excl, ray_id, num_segments=N_RAYS)
    T = jnp.exp(excl - seg_first[ray_id])          # per-sample transmittance
    weights = alpha_c * T

    # alphainv_last: remaining transmittance after the last sample of each ray
    log_total = jax.ops.segment_sum(log_t, ray_id, num_segments=N_RAYS)
    alphainv_last = jnp.exp(log_total)             # empty rays -> exp(0) = 1
    return weights, alphainv_last

if __name__ == "__main__":
    import jax
    _d = setup_inputs()
    print(jax.jit(kernel)(*tuple(_d.values())))

</pallas_src>

<mosaic_0001>
module attributes {stable_mosaic.version = 14 : i64} {
  func.func @_body(%arg0: i32, %arg1: memref<1x500x128xf32, #tpu.memory_space<vmem>>, %arg2: memref<1x500x128xi32, #tpu.memory_space<vmem>>, %arg3: memref<1x500x128xi32, #tpu.memory_space<vmem>>, %arg4: memref<1x500x128xf32, #tpu.memory_space<vmem>>, %arg5: memref<1x500x128xf32, #tpu.memory_space<vmem>>, %arg6: memref<2xf32, #tpu.memory_space<smem>>) attributes {dimension_semantics = [#tpu.dimension_semantics<arbitrary>], iteration_bounds = array<i64: 100>, scalar_prefetch = 0 : i64, scratch_operands = 1 : i64, tpu.core_type = #tpu.core_type<tc>, window_params = [{transform_indices = @transform_0, window_bounds = array<i64: 1, 500, 128>}, {transform_indices = @transform_1, window_bounds = array<i64: 1, 500, 128>}, {transform_indices = @transform_2, window_bounds = array<i64: 1, 500, 128>}, {transform_indices = @transform_3, window_bounds = array<i64: 1, 500, 128>}, {transform_indices = @transform_4, window_bounds = array<i64: 1, 500, 128>}]} {
    %eq3A = arith.constant 0 : i32
    %eq3A_0 = arith.cmpi eq, %arg0, %eq3A : i32
    %convert_element_type3A = arith.extui %eq3A_0 : i1 to i32
    %cond3A = arith.constant 0 : i32
    %cond3A_1 = arith.cmpi ne, %convert_element_type3A, %cond3A : i32
    scf.if %cond3A_1 {
      %swap3A_181 = arith.constant 0.000000e+00 : f32
      %swap3A_182 = arith.constant 0 : index
      %swap3A_183 = memref.load %arg6[%swap3A_182] : memref<2xf32, #tpu.memory_space<smem>>
      memref.store %swap3A_181, %arg6[%swap3A_182] : memref<2xf32, #tpu.memory_space<smem>>
      %swap3A_184 = arith.constant 0x7F800000 : f32
      %swap3A_185 = arith.constant 1 : index
      %swap3A_186 = memref.load %arg6[%swap3A_185] : memref<2xf32, #tpu.memory_space<smem>>
      memref.store %swap3A_184, %arg6[%swap3A_185] : memref<2xf32, #tpu.memory_space<smem>>
    } else {
    }
    %get3A = arith.constant 0 : index
    %get3A_2 = arith.constant 0 : index
    %get3A_3 = arith.constant 0 : index
    %get3A_4 = vector.load %arg1[%get3A, %get3A_2, %get3A_3] : memref<1x500x128xf32, #tpu.memory_space<vmem>>, vector<1x500x128xf32>
    %get3A_5 = vector.shape_cast %get3A_4 : vector<1x500x128xf32> to vector<500x128xf32>
    %get3A_6 = arith.constant 0 : index
    %get3A_7 = arith.constant 0 : index
    %get3A_8 = arith.constant 0 : index
    %get3A_9 = vector.load %arg2[%get3A_6, %get3A_7, %get3A_8] : memref<1x500x128xi32, #tpu.memory_space<vmem>>, vector<1x500x128xi32>
    %get3A_10 = vector.shape_cast %get3A_9 : vector<1x500x128xi32> to vector<500x128xi32>
    %get3A_11 = arith.constant 0 : index
    %get3A_12 = arith.constant 0 : index
    %get3A_13 = arith.constant 0 : index
    %get3A_14 = vector.load %arg3[%get3A_11, %get3A_12, %get3A_13] : memref<1x500x128xi32, #tpu.memory_space<vmem>>, vector<1x500x128xi32>
    %get3A_15 = vector.shape_cast %get3A_14 : vector<1x500x128xi32> to vector<500x128xi32>
    %add3A = arith.constant -13.8155098 : f32
    %add3A_16 = vector.broadcast %add3A : f32 to vector<500x128xf32>
    %add3A_17 = arith.addf %get3A_5, %add3A_16 : vector<500x128xf32>
    %gt3A = arith.constant 0.000000e+00 : f32
    %gt3A_18 = vector.broadcast %gt3A : f32 to vector<500x128xf32>
    %gt3A_19 = arith.cmpf ogt, %add3A_17, %gt3A_18 : vector<500x128xf32>
    %jit3A = arith.constant 0.000000e+00 : f32
    %broadcast_in_dim3A = vector.broadcast %jit3A : f32 to vector<500x128xf32>
    %select_n3A = arith.select %gt3A_19, %add3A_17, %broadcast_in_dim3A : vector<500x128xi1>, vector<500x128xf32>
    %abs3A = math.absf %add3A_17 : vector<500x128xf32>
    %neg3A = arith.constant 0.000000e+00 : f32
    %neg3A_20 = vector.broadcast %neg3A : f32 to vector<500x128xf32>
    %neg3A_21 = arith.subf %neg3A_20, %abs3A : vector<500x128xf32>
    %exp3A = math.exp %neg3A_21 : vector<500x128xf32>
    %log1p3A = math.log1p %exp3A : vector<500x128xf32>
    %add3A_22 = arith.addf %select_n3A, %log1p3A : vector<500x128xf32>
    %neg3A_23 = arith.constant 0.000000e+00 : f32
    %neg3A_24 = vector.broadcast %neg3A_23 : f32 to vector<500x128xf32>
    %neg3A_25 = arith.subf %neg3A_24, %add3A_22 : vector<500x128xf32>
    %mul3A = arith.constant 5.000000e-01 : f32
    %mul3A_26 = vector.broadcast %mul3A : f32 to vector<500x128xf32>
    %mul3A_27 = arith.mulf %neg3A_25, %mul3A_26 : vector<500x128xf32>
    %exp3A_28 = math.exp %mul3A_27 : vector<500x128xf32>
    %sub3A = arith.constant 1.000000e+00 : f32
    %sub3A_29 = vector.broadcast %sub3A : f32 to vector<500x128xf32>
    %sub3A_30 = arith.subf %sub3A_29, %exp3A_28 : vector<500x128xf32>
    %jit3A_31 = arith.constant 0.000000e+00 : f32
    %jit3A_32 = arith.constant 0.999998986 : f32
    %max3A = vector.broadcast %jit3A_31 : f32 to vector<500x128xf32>
    %max3A_33 = arith.maximumf %max3A, %sub3A_30 : vector<500x128xf32>
    %min3A = vector.broadcast %jit3A_32 : f32 to vector<500x128xf32>
    %min3A_34 = arith.minimumf %min3A, %max3A_33 : vector<500x128xf32>
    %neg3A_35 = arith.constant 0.000000e+00 : f32
    %neg3A_36 = vector.broadcast %neg3A_35 : f32 to vector<500x128xf32>
    %neg3A_37 = arith.subf %neg3A_36, %min3A_34 : vector<500x128xf32>
    %log1p3A_38 = math.log1p %neg3A_37 : vector<500x128xf32>
    %iota3A = tpu.iota {dimensions = array<i32: 0>} : vector<500x500xi32>
    %iota3A_39 = tpu.iota {dimensions = array<i32: 1>} : vector<500x500xi32>
    %ge3A = arith.cmpi sge, %iota3A, %iota3A_39 : vector<500x500xi32>
    %convert_element_type3A_40 = arith.extui %ge3A : vector<500x500xi1> to vector<500x500xi32>
    %convert_element_type3A_41 = arith.sitofp %convert_element_type3A_40 : vector<500x500xi32> to vector<500x500xf32>
    %dot_general3A = arith.constant dense<0.000000e+00> : vector<500x128xf32>
    %dot_general3A_42 = tpu.matmul %convert_element_type3A_41, %log1p3A_38, %dot_general3A {dimension_numbers = #tpu.dot_dimension_numbers<[1], [0], [0], [1], [0, 0, 1, 1], [], []>, transpose_lhs_hint = false} : vector<500x500xf32>, vector<500x128xf32>, vector<500x128xf32> -> vector<500x128xf32>
    %slice3A = vector.extract_strided_slice %dot_general3A_42 {offsets = [499, 0], sizes = [1, 128], strides = [1, 1]} : vector<500x128xf32> to vector<1x128xf32>
    %iota3A_43 = tpu.iota {dimensions = array<i32: 0>} : vector<128x128xi32>
    %iota3A_44 = tpu.iota {dimensions = array<i32: 1>} : vector<128x128xi32>
    %lt3A = arith.cmpi slt, %iota3A_43, %iota3A_44 : vector<128x128xi32>
    %convert_element_type3A_45 = arith.extui %lt3A : vector<128x128xi1> to vector<128x128xi32>
    %convert_element_type3A_46 = arith.sitofp %convert_element_type3A_45 : vector<128x128xi32> to vector<128x128xf32>
    %dot_general3A_47 = arith.constant dense<0.000000e+00> : vector<1x128xf32>
    %dot_general3A_48 = tpu.matmul %slice3A, %convert_element_type3A_46, %dot_general3A_47 {dimension_numbers = #tpu.dot_dimension_numbers<[1], [0], [0], [1], [0, 0, 1, 1], [], []>, transpose_lhs_hint = false} : vector<1x128xf32>, vector<128x128xf32>, vector<1x128xf32> -> vector<1x128xf32>
    %get3A_49 = arith.constant 0 : index
    %get3A_50 = memref.load %arg6[%get3A_49] : memref<2xf32, #tpu.memory_space<smem>>
    %add3A_51 = vector.broadcast %dot_general3A_48 : vector<1x128xf32> to vector<500x128xf32>
    %add3A_52 = arith.addf %dot_general3A_42, %add3A_51 : vector<500x128xf32>
    %add3A_53 = vector.broadcast %get3A_50 : f32 to vector<500x128xf32>
    %add3A_54 = arith.addf %add3A_52, %add3A_53 : vector<500x128xf32>
    %sub3A_55 = arith.subf %add3A_54, %log1p3A_38 : vector<500x128xf32>
    %ne3A = arith.cmpi ne, %get3A_10, %get3A_15 : vector<500x128xi32>
    %jit3A_56 = arith.constant 0x7F800000 : f32
    %broadcast_in_dim3A_57 = vector.broadcast %jit3A_56 : f32 to vector<500x128xf32>
    %select_n3A_58 = arith.select %ne3A, %sub3A_55, %broadcast_in_dim3A_57 : vector<500x128xi1>, vector<500x128xf32>
    %broadcast_in_dim3A_59 = arith.constant 0x7F800000 : f32
    %broadcast_in_dim3A_60 = vector.broadcast %broadcast_in_dim3A_59 : f32 to vector<1x128xf32>
    %slice3A_61 = vector.extract_strided_slice %select_n3A_58 {offsets = [0, 0], sizes = [499, 128], strides = [1, 1]} : vector<500x128xf32> to vector<499x128xf32>
    %concatenate3A = tpu.concatenate %broadcast_in_dim3A_60, %slice3A_61 in 0 : vector<1x128xf32>, vector<499x128xf32> -> vector<500x128xf32>
    %min3A_62 = arith.minimumf %select_n3A_58, %concatenate3A : vector<500x128xf32>
    %broadcast_in_dim3A_63 = arith.constant 0x7F800000 : f32
    %broadcast_in_dim3A_64 = vector.broadcast %broadcast_in_dim3A_63 : f32 to vector<2x128xf32>
    %slice3A_65 = vector.extract_strided_slice %min3A_62 {offsets = [0, 0], sizes = [498, 128], strides = [1, 1]} : vector<500x128xf32> to vector<498x128xf32>
    %concatenate3A_66 = tpu.concatenate %broadcast_in_dim3A_64, %slice3A_65 in 0 : vector<2x128xf32>, vector<498x128xf32> -> vector<500x128xf32>
    %min3A_67 = arith.minimumf %min3A_62, %concatenate3A_66 : vector<500x128xf32>
    %broadcast_in_dim3A_68 = arith.constant 0x7F800000 : f32
    %broadcast_in_dim3A_69 = vector.broadcast %broadcast_in_dim3A_68 : f32 to vector<4x128xf32>
    %slice3A_70 = vector.extract_strided_slice %min3A_67 {offsets = [0, 0], sizes = [496, 128], strides = [1, 1]} : vector<500x128xf32> to vector<496x128xf32>
    %concatenate3A_71 = tpu.concatenate %broadcast_in_dim3A_69, %slice3A_70 in 0 : vector<4x128xf32>, vector<496x128xf32> -> vector<500x128xf32>
    %min3A_72 = arith.minimumf %min3A_67, %concatenate3A_71 : vector<500x128xf32>
    %broadcast_in_dim3A_73 = arith.constant 0x7F800000 : f32
    %broadcast_in_dim3A_74 = vector.broadcast %broadcast_in_dim3A_73 : f32 to vector<8x128xf32>
    %slice3A_75 = vector.extract_strided_slice %min3A_72 {offsets = [0, 0], sizes = [492, 128], strides = [1, 1]} : vector<500x128xf32> to vector<492x128xf32>
    %concatenate3A_76 = tpu.concatenate %broadcast_in_dim3A_74, %slice3A_75 in 0 : vector<8x128xf32>, vector<492x128xf32> -> vector<500x128xf32>
    %min3A_77 = arith.minimumf %min3A_72, %concatenate3A_76 : vector<500x128xf32>
    %broadcast_in_dim3A_78 = arith.constant 0x7F800000 : f32
    %broadcast_in_dim3A_79 = vector.broadcast %broadcast_in_dim3A_78 : f32 to vector<16x128xf32>
    %slice3A_80 = vector.extract_strided_slice %min3A_77 {offsets = [0, 0], sizes = [484, 128], strides = [1, 1]} : vector<500x128xf32> to vector<484x128xf32>
    %concatenate3A_81 = tpu.concatenate %broadcast_in_dim3A_79, %slice3A_80 in 0 : vector<16x128xf32>, vector<484x128xf32> -> vector<500x128xf32>
    %min3A_82 = arith.minimumf %min3A_77, %concatenate3A_81 : vector<500x128xf32>
    %broadcast_in_dim3A_83 = arith.constant 0x7F800000 : f32
    %broadcast_in_dim3A_84 = vector.broadcast %broadcast_in_dim3A_83 : f32 to vector<32x128xf32>
    %slice3A_85 = vector.extract_strided_slice %min3A_82 {offsets = [0, 0], sizes = [468, 128], strides = [1, 1]} : vector<500x128xf32> to vector<468x128xf32>
    %concatenate3A_86 = tpu.concatenate %broadcast_in_dim3A_84, %slice3A_85 in 0 : vector<32x128xf32>, vector<468x128xf32> -> vector<500x128xf32>
    %min3A_87 = arith.minimumf %min3A_82, %concatenate3A_86 : vector<500x128xf32>
    %broadcast_in_dim3A_88 = arith.constant 0x7F800000 : f32
    %broadcast_in_dim3A_89 = vector.broadcast %broadcast_in_dim3A_88 : f32 to vector<64x128xf32>
    %slice3A_90 = vector.extract_strided_slice %min3A_87 {offsets = [0, 0], sizes = [436, 128], strides = [1, 1]} : vector<500x128xf32> to vector<436x128xf32>
    %concatenate3A_91 = tpu.concatenate %broadcast_in_dim3A_89, %slice3A_90 in 0 : vector<64x128xf32>, vector<436x128xf32> -> vector<500x128xf32>
    %min3A_92 = arith.minimumf %min3A_87, %concatenate3A_91 : vector<500x128xf32>
    %broadcast_in_dim3A_93 = arith.constant 0x7F800000 : f32
    %broadcast_in_dim3A_94 = vector.broadcast %broadcast_in_dim3A_93 : f32 to vector<128x128xf32>
    %slice3A_95 = vector.extract_strided_slice %min3A_92 {offsets = [0, 0], sizes = [372, 128], strides = [1, 1]} : vector<500x128xf32> to vector<372x128xf32>
    %concatenate3A_96 = tpu.concatenate %broadcast_in_dim3A_94, %slice3A_95 in 0 : vector<128x128xf32>, vector<372x128xf32> -> vector<500x128xf32>
    %min3A_97 = arith.minimumf %min3A_92, %concatenate3A_96 : vector<500x128xf32>
    %broadcast_in_dim3A_98 = arith.constant 0x7F800000 : f32
    %broadcast_in_dim3A_99 = vector.broadcast %broadcast_in_dim3A_98 : f32 to vector<256x128xf32>
    %slice3A_100 = vector.extract_strided_slice %min3A_97 {offsets = [0, 0], sizes = [244, 128], strides = [1, 1]} : vector<500x128xf32> to vector<244x128xf32>
    %concatenate3A_101 = tpu.concatenate %broadcast_in_dim3A_99, %slice3A_100 in 0 : vector<256x128xf32>, vector<244x128xf32> -> vector<500x128xf32>
    %min3A_102 = arith.minimumf %min3A_97, %concatenate3A_101 : vector<500x128xf32>
    %slice3A_103 = vector.extract_strided_slice %min3A_102 {offsets = [499, 0], sizes = [1, 128], strides = [1, 1]} : vector<500x128xf32> to vector<1x128xf32>
    %broadcast_in_dim3A_104 = arith.constant 0x7F800000 : f32
    %broadcast_in_dim3A_105 = vector.broadcast %broadcast_in_dim3A_104 : f32 to vector<1x1xf32>
    %slice3A_106 = vector.extract_strided_slice %slice3A_103 {offsets = [0, 0], sizes = [1, 127], strides = [1, 1]} : vector<1x128xf32> to vector<1x127xf32>
    %concatenate3A_107 = tpu.concatenate %broadcast_in_dim3A_105, %slice3A_106 in 1 : vector<1x1xf32>, vector<1x127xf32> -> vector<1x128xf32>
    %broadcast_in_dim3A_108 = arith.constant 0x7F800000 : f32
    %broadcast_in_dim3A_109 = vector.broadcast %broadcast_in_dim3A_108 : f32 to vector<1x1xf32>
    %slice3A_110 = vector.extract_strided_slice %concatenate3A_107 {offsets = [0, 0], sizes = [1, 127], strides = [1, 1]} : vector<1x128xf32> to vector<1x127xf32>
    %concatenate3A_111 = tpu.concatenate %broadcast_in_dim3A_109, %slice3A_110 in 1 : vector<1x1xf32>, vector<1x127xf32> -> vector<1x128xf32>
    %min3A_112 = arith.minimumf %concatenate3A_107, %concatenate3A_111 : vector<1x128xf32>
    %broadcast_in_dim3A_113 = arith.constant 0x7F800000 : f32
    %broadcast_in_dim3A_114 = vector.broadcast %broadcast_in_dim3A_113 : f32 to vector<1x2xf32>
    %slice3A_115 = vector.extract_strided_slice %min3A_112 {offsets = [0, 0], sizes = [1, 126], strides = [1, 1]} : vector<1x128xf32> to vector<1x126xf32>
    %concatenate3A_116 = tpu.concatenate %broadcast_in_dim3A_114, %slice3A_115 in 1 : vector<1x2xf32>, vector<1x126xf32> -> vector<1x128xf32>
    %min3A_117 = arith.minimumf %min3A_112, %concatenate3A_116 : vector<1x128xf32>
    %broadcast_in_dim3A_118 = arith.constant 0x7F800000 : f32
    %broadcast_in_dim3A_119 = vector.broadcast %broadcast_in_dim3A_118 : f32 to vector<1x4xf32>
    %slice3A_120 = vector.extract_strided_slice %min3A_117 {offsets = [0, 0], sizes = [1, 124], strides = [1, 1]} : vector<1x128xf32> to vector<1x124xf32>
    %concatenate3A_121 = tpu.concatenate %broadcast_in_dim3A_119, %slice3A_120 in 1 : vector<1x4xf32>, vector<1x124xf32> -> vector<1x128xf32>
    %min3A_122 = arith.minimumf %min3A_117, %concatenate3A_121 : vector<1x128xf32>
    %broadcast_in_dim3A_123 = arith.constant 0x7F800000 : f32
    %broadcast_in_dim3A_124 = vector.broadcast %broadcast_in_dim3A_123 : f32 to vector<1x8xf32>
    %slice3A_125 = vector.extract_strided_slice %min3A_122 {offsets = [0, 0], sizes = [1, 120], strides = [1, 1]} : vector<1x128xf32> to vector<1x120xf32>
    %concatenate3A_126 = tpu.concatenate %broadcast_in_dim3A_124, %slice3A_125 in 1 : vector<1x8xf32>, vector<1x120xf32> -> vector<1x128xf32>
    %min3A_127 = arith.minimumf %min3A_122, %concatenate3A_126 : vector<1x128xf32>
    %broadcast_in_dim3A_128 = arith.constant 0x7F800000 : f32
    %broadcast_in_dim3A_129 = vector.broadcast %broadcast_in_dim3A_128 : f32 to vector<1x16xf32>
    %slice3A_130 = vector.extract_strided_slice %min3A_127 {offsets = [0, 0], sizes = [1, 112], strides = [1, 1]} : vector<1x128xf32> to vector<1x112xf32>
    %concatenate3A_131 = tpu.concatenate %broadcast_in_dim3A_129, %slice3A_130 in 1 : vector<1x16xf32>, vector<1x112xf32> -> vector<1x128xf32>
    %min3A_132 = arith.minimumf %min3A_127, %concatenate3A_131 : vector<1x128xf32>
    %broadcast_in_dim3A_133 = arith.constant 0x7F800000 : f32
    %broadcast_in_dim3A_134 = vector.broadcast %broadcast_in_dim3A_133 : f32 to vector<1x32xf32>
    %slice3A_135 = vector.extract_strided_slice %min3A_132 {offsets = [0, 0], sizes = [1, 96], strides = [1, 1]} : vector<1x128xf32> to vector<1x96xf32>
    %concatenate3A_136 = tpu.concatenate %broadcast_in_dim3A_134, %slice3A_135 in 1 : vector<1x32xf32>, vector<1x96xf32> -> vector<1x128xf32>
    %min3A_137 = arith.minimumf %min3A_132, %concatenate3A_136 : vector<1x128xf32>
    %broadcast_in_dim3A_138 = arith.constant 0x7F800000 : f32
    %broadcast_in_dim3A_139 = vector.broadcast %broadcast_in_dim3A_138 : f32 to vector<1x64xf32>
    %slice3A_140 = vector.extract_strided_slice %min3A_137 {offsets = [0, 0], sizes = [1, 64], strides = [1, 1]} : vector<1x128xf32> to vector<1x64xf32>
    %concatenate3A_141 = tpu.concatenate %broadcast_in_dim3A_139, %slice3A_140 in 1 : vector<1x64xf32>, vector<1x64xf32> -> vector<1x128xf32>
    %min3A_142 = arith.minimumf %min3A_137, %concatenate3A_141 : vector<1x128xf32>
    %min3A_143 = vector.broadcast %min3A_142 : vector<1x128xf32> to vector<500x128xf32>
    %min3A_144 = arith.minimumf %min3A_102, %min3A_143 : vector<500x128xf32>
    %get3A_145 = arith.constant 1 : index
    %get3A_146 = memref.load %arg6[%get3A_145] : memref<2xf32, #tpu.memory_space<smem>>
    %min3A_147 = vector.broadcast %get3A_146 : f32 to vector<500x128xf32>
    %min3A_148 = arith.minimumf %min3A_144, %min3A_147 : vector<500x128xf32>
    %sub3A_149 = arith.subf %sub3A_55, %min3A_148 : vector<500x128xf32>
    %exp3A_150 = math.exp %sub3A_149 : vector<500x128xf32>
    %mul3A_151 = arith.mulf %min3A_34, %exp3A_150 : vector<500x128xf32>
    %swap3A = arith.constant 0 : index
    %swap3A_152 = arith.constant 0 : index
    %swap3A_153 = arith.constant 0 : index
    %swap3A_154 = vector.load %arg4[%swap3A, %swap3A_152, %swap3A_153] : memref<1x500x128xf32, #tpu.memory_space<vmem>>, vector<1x500x128xf32>
    %swap3A_155 = vector.shape_cast %swap3A_154 : vector<1x500x128xf32> to vector<500x128xf32>
    %swap3A_156 = vector.shape_cast %mul3A_151 : vector<500x128xf32> to vector<1x500x128xf32>
    tpu.vector_store %arg4[%swap3A, %swap3A_152, %swap3A_153], %swap3A_156 {strides = array<i32>} : memref<1x500x128xf32, #tpu.memory_space<vmem>>, vector<1x500x128xf32>,
    %sub3A_157 = arith.subf %add3A_54, %min3A_148 : vector<500x128xf32>
    %exp3A_158 = math.exp %sub3A_157 : vector<500x128xf32>
    %swap3A_159 = arith.constant 0 : index
    %swap3A_160 = arith.constant 0 : index
    %swap3A_161 = arith.constant 0 : index
    %swap3A_162 = vector.load %arg5[%swap3A_159, %swap3A_160, %swap3A_161] : memref<1x500x128xf32, #tpu.memory_space<vmem>>, vector<1x500x128xf32>
    %swap3A_163 = vector.shape_cast %swap3A_162 : vector<1x500x128xf32> to vector<500x128xf32>
    %swap3A_164 = vector.shape_cast %exp3A_158 : vector<500x128xf32> to vector<1x500x128xf32>
    tpu.vector_store %arg5[%swap3A_159, %swap3A_160, %swap3A_161], %swap3A_164 {strides = array<i32>} : memref<1x500x128xf32, #tpu.memory_space<vmem>>, vector<1x500x128xf32>,
    %reduce_sum3A = vector.shape_cast %log1p3A_38 : vector<500x128xf32> to vector<1x500x128xf32>
    %reduce_sum3A_165 = arith.constant dense<0.000000e+00> : vector<1xf32>
    %reduce_sum3A_166 = vector.multi_reduction <add>, %reduce_sum3A, %reduce_sum3A_165 [1, 2] : vector<1x500x128xf32> to vector<1xf32>
    %reduce_sum3A_167 = vector.shape_cast %reduce_sum3A_166 : vector<1xf32> to vector<1x1x1xf32>
    %reduce_sum3A_168 = vector.extract %reduce_sum3A_167[0, 0, 0] : f32 from vector<1x1x1xf32>
    %add3A_169 = arith.addf %get3A_50, %reduce_sum3A_168 : f32
    %swap3A_170 = arith.constant 0 : index
    %swap3A_171 = memref.load %arg6[%swap3A_170] : memref<2xf32, #tpu.memory_space<smem>>
    memref.store %add3A_169, %arg6[%swap3A_170] : memref<2xf32, #tpu.memory_space<smem>>
    %get3A_172 = arith.constant 1 : index
    %get3A_173 = memref.load %arg6[%get3A_172] : memref<2xf32, #tpu.memory_space<smem>>
    %reduce_min3A = vector.shape_cast %select_n3A_58 : vector<500x128xf32> to vector<1x500x128xf32>
    %reduce_min3A_174 = arith.constant dense<0x7F800000> : vector<1xf32>
    %reduce_min3A_175 = vector.multi_reduction <minimumf>, %reduce_min3A, %reduce_min3A_174 [1, 2] : vector<1x500x128xf32> to vector<1xf32>
    %reduce_min3A_176 = vector.shape_cast %reduce_min3A_175 : vector<1xf32> to vector<1x1x1xf32>
    %reduce_min3A_177 = vector.extract %reduce_min3A_176[0, 0, 0] : f32 from vector<1x1x1xf32>
    %min3A_178 = arith.minimumf %get3A_173, %reduce_min3A_177 : f32
    %swap3A_179 = arith.constant 1 : index
    %swap3A_180 = memref.load %arg6[%swap3A_179] : memref<2xf32, #tpu.memory_space<smem>>
    memref.store %min3A_178, %arg6[%swap3A_179] : memref<2xf32, #tpu.memory_space<smem>>
    return
  }
  func.func @transform_0(%arg0: i32) -> (i32, i32, i32) {
    %c0_i32 = arith.constant 0 : i32
    %c0_i32_0 = arith.constant 0 : i32
    %c0_i32_1 = arith.constant 0 : i32
    return %arg0, %c0_i32, %c0_i32_0 : i32, i32, i32
  }
  func.func @transform_1(%arg0: i32) -> (i32, i32, i32) {
    %c0_i32 = arith.constant 0 : i32
    %c0_i32_0 = arith.constant 0 : i32
    %c0_i32_1 = arith.constant 0 : i32
    return %arg0, %c0_i32, %c0_i32_0 : i32, i32, i32
  }
  func.func @transform_2(%arg0: i32) -> (i32, i32, i32) {
    %c0_i32 = arith.constant 0 : i32
    %c0_i32_0 = arith.constant 0 : i32
    %c0_i32_1 = arith.constant 0 : i32
    return %arg0, %c0_i32, %c0_i32_0 : i32, i32, i32
  }
  func.func @transform_3(%arg0: i32) -> (i32, i32, i32) {
    %c0_i32 = arith.constant 0 : i32
    %c0_i32_0 = arith.constant 0 : i32
    %c0_i32_1 = arith.constant 0 : i32
    return %arg0, %c0_i32, %c0_i32_0 : i32, i32, i32
  }
  func.func @transform_4(%arg0: i32) -> (i32, i32, i32) {
    %c0_i32 = arith.constant 0 : i32
    %c0_i32_0 = arith.constant 0 : i32
    %c0_i32_1 = arith.constant 0 : i32
    return %arg0, %c0_i32, %c0_i32_0 : i32, i32, i32
  }
}

</mosaic_0001>

<sc_bundles>
// kernel: gather_offload_async_start.1
scs
__scs_entry_jumppad:
0x0: {  	(pc) =	sbr.rel $0x88, $3  }
0x1: {  	(tag) =	ssettag $0x0;
	lr =	simm.s32 $0x1  }
0x2: {  	[smem:$0x3F9E] =	sst lr;
	_ =	strace $0xD0000000  }
0x3: {  	_ = 	snop  }
0x4: {  	_ = 	snop  }
0x5: {  	_ = 	snop  }
0x6: {  	_ = 	snop  }
0x7: {  	_ = 	snop  }
__scs_overlays_trampoline_lowered:
0x8: {  	[smem:$0x3FAD] =	sst s0  }
0x9: {  	[smem:$0x3FAE] =	sst s1  }
0xa: {  	[smem:$0x3FAF] =	sst s2  }
0xb: {  	[smem:$0x3FB0] =	sst s3  }
0xc: {  	[smem:$0x3FB1] =	sst s4  }
0xd: {  	[smem:$0x3FB2] =	sst s5  }
0xe: {  	[smem:$0x3FB3] =	sst s6  }
0xf: {  	[smem:$0x3FB4] =	sst s7  }
0x10: {  	[smem:$0x3FB5] =	sst s8  }
0x11: {  	[smem:$0x3FB6] =	sst s9;
	s0 =	simm.s32 @!p0 $0x0  }
0x12: {  	s1 =	sld [smem:$0x3F9C];
	s0 =	simm.s32 @p0 $0x1  }
0x13: {  	[smem:$0x3FB7] =	sst s0;
	s0 =	simm.s32 @!p1 $0x0  }
0x14: {  	s2 =	sld [smem:$0x3F9B];
	s0 =	simm.s32 @p1 $0x1  }
0x15: {  	[smem:$0x3FB8] =	sst s0;
	s0 =	simm.s32 @!p2 $0x0  }
0x16: {  	s3 =	sld [smem:$0x3FDB];
	s0 =	simm.s32 @p2 $0x1  }
0x17: {  	s4 =	simm.s32 $0x1BF5;
	[smem:$0x3FBA] =	sst s0  }
0x18: {  	s0 =	sld [smem:$0x3F9D];
	_ =	swait.ge [sflag:s4], $0x0  }
0x19: {  	s7 =	sld [smem:$0x3F9E]  }
0x1a: {  	s8 =	sadd.s32 $0xFFFFE003, lr  }
0x1b: {  	s9 =	sadd.s32 $0xFFFFFEF7, lr;
	s5 =	simm.s32 $0xFFFFFFFF;
	p2 =	slt.u32 s8, $0xFFFFF086  }
0x1c: {  	p1 =	slt.u32 s9, $0xF7A;
	s5 =	simm.s32 @!p2 $0x0  }
0x1d: {  	s5 =	simm.s32 @p1 $0x1;
	p0 =	seq.s32 s7, s2  }
0x1e: {  	s7 =	smul.u32 @!p0 $0xF7A, s2;
	p2 =	seq.s32 @!p0 s5, $0x0  }
0x1f: {  	s9 =	smul.u32 $0xF7A, s1;
	s8 =	simm.s32 @!p0 $0x1BF5;
	p2 =	por !p2, p0  }
0x20: {  	[sflag:s8] =	ssyncset.s32 @!p0 $0xFFFFF086;
	s6 =	sadd.s32 @!p0 s3, s7;
	s7 =	simm.s32 @!p0 $0x108  }
0x21: {  	s3 =	sadd.s32 s3, s9;
	s6 =	sadd.s32 @!p0 $0x88, s6;
	s7 =	simm.s32 @p2 $0x1082  }
0x22: {  	[simem:s7], [sflag:s8] =	dma.local @!p0 [hbm:s6], $0xF7A  }
0x23: {  	s9 =	sor.u32 $0xD0000000, s2;
	s6 =	simm.s32 $0x108;
	_ =	swait.ge @!p0 [sflag:s8], $0x0  }
0x24: {  	s3 =	sadd.s32 $0x88, s3;
	s6 =	simm.s32 @!p1 $0x1082;
	[sflag:s4] =	ssyncset.s32 $0xFFFFF086  }
0x25: {  	[simem:s6], [sflag:s4] =	dma.local [hbm:s3], $0xF7A  }
0x26: {  	[smem:$0x3F9E] =	sst s1;
	(tag) =	ssettag s2;
	_ =	strace s9  }
0x27: {  	s1 =	sld [smem:$0x3FAE]  }
0x28: {  	s2 =	sld [smem:$0x3FAF]  }
0x29: {  	s4 =	sld [smem:$0x3FB1]  }
0x2a: {  	p0 =	seq.s32 s5, $0x0;
	s5 =	sld [smem:$0x3FB2]  }
0x2b: {  	s6 =	sld [smem:$0x3FB3]  }
0x2c: {  	s7 =	sld [smem:$0x3FB4]  }
0x2d: {  	s3 =	simm.s32 $0x108;
	s8 =	sld [smem:$0x3FB5]  }
0x2e: {  	s3 =	simm.s32 @!p0 $0x1082;
	s9 =	sld [smem:$0x3FB6]  }
0x2f: {  	lr =	sadd.s32 s0, s3;
	s0 =	sld [smem:$0x3FAD]  }
0x30: {  	s3 =	sld [smem:$0x3FB0]  }
0x31: {  	[smem:$0x3FB9] =	sst s10  }
0x32: {  	s10 =	sld [smem:$0x3FB7];
	_ =	sdelay $0x3  }
0x33: {  	p0 =	seq.s32 s10, $0x1;
	s10 =	sld [smem:$0x3FB9];
	_ =	sdelay $0x3  }
0x34: {  	[smem:$0x3FB9] =	sst s10  }
0x35: {  	s10 =	sld [smem:$0x3FB8];
	_ =	sdelay $0x3  }
0x36: {  	p1 =	seq.s32 s10, $0x1;
	s10 =	sld [smem:$0x3FB9];
	_ =	sdelay $0x3  }
0x37: {  	[smem:$0x3FB9] =	sst s10  }
0x38: {  	s10 =	sld [smem:$0x3FBA]  }
0x39: {  	_ = 	snop;
	(pc) =	sbr.ind lr, $3  }
0x3a: {  	_ = 	snop  }
0x3b: {  	_ = 	snop  }
0x3c: {  	p2 =	seq.s32 s10, $0x1;
	s10 =	sld [smem:$0x3FB9]  }
0x3d: {  	_ =	shalt  }
0x3e: {  	_ =	shalt  }
0x3f: {  	_ =	shalt  }
0x40: {  	_ =	shalt  }
0x41: {  	_ =	shalt  }
0x42: {  	_ =	shalt  }
0x43: {  	_ =	shalt  }
0x44: {  	_ =	shalt  }
0x45: {  	_ =	shalt  }
0x46: {  	_ =	shalt  }
0x47: {  	_ =	shalt  }
0x48: {  	_ =	shalt  }
0x49: {  	_ =	shalt  }
0x4a: {  	_ =	shalt  }
0x4b: {  	_ =	shalt  }
0x4c: {  	_ =	shalt  }
0x4d: {  	_ =	shalt  }
0x4e: {  	_ =	shalt  }
0x4f: {  	_ =	shalt  }
0x50: {  	_ =	shalt  }
0x51: {  	_ =	shalt  }
0x52: {  	_ =	shalt  }
0x53: {  	_ =	shalt  }
0x54: {  	_ =	shalt  }
0x55: {  	_ =	shalt  }
0x56: {  	_ =	shalt  }
0x57: {  	_ =	shalt  }
0x58: {  	_ =	shalt  }
0x59: {  	_ =	shalt  }
0x5a: {  	_ =	shalt  }
0x5b: {  	_ =	shalt  }
0x5c: {  	_ =	shalt  }
0x5d: {  	_ =	shalt  }
0x5e: {  	_ =	shalt  }
0x5f: {  	_ =	shalt  }
0x60: {  	_ =	shalt  }
0x61: {  	_ =	shalt  }
0x62: {  	_ =	shalt  }
0x63: {  	_ =	shalt  }
0x64: {  	_ =	shalt  }
0x65: {  	_ =	shalt  }
0x66: {  	_ =	shalt  }
0x67: {  	_ =	shalt  }
0x68: {  	_ =	shalt  }
0x69: {  	_ =	shalt  }
0x6a: {  	_ =	shalt  }
0x6b: {  	_ =	shalt  }
0x6c: {  	_ =	shalt  }
0x6d: {  	_ =	shalt  }
0x6e: {  	_ =	shalt  }
0x6f: {  	_ =	shalt  }
0x70: {  	_ =	shalt  }
0x71: {  	_ =	shalt  }
0x72: {  	_ =	shalt  }
0x73: {  	_ =	shalt  }
0x74: {  	_ =	shalt  }
0x75: {  	_ =	shalt  }
0x76: {  	_ =	shalt  }
0x77: {  	_ =	shalt  }
0x78: {  	_ =	shalt  }
0x79: {  	_ =	shalt  }
0x7a: {  	_ =	shalt  }
0x7b: {  	_ =	shalt  }
0x7c: {  	_ =	shalt  }
0x7d: {  	_ =	shalt  }
0x7e: {  	_ =	shalt  }
0x7f: {  	_ =	shalt  }
0x80: {  	_ =	shalt  }
0x81: {  	_ =	shalt  }
0x82: {  	_ =	shalt  }
0x83: {  	_ =	shalt  }
0x84: {  	_ =	shalt  }
0x85: {  	_ =	shalt  }
0x86: {  	_ =	shalt  }
0x87: {  	_ =	shalt  }
.Lfunc_end0:
.L_simem_size_0:
called_computation.1_lowered:
.L_overlay_start_0:
0x88: {  	s2 =	sld [smem:$0x3FD9]  }
0x89: {  	s3 =	sld [smem:$0x3FFE];
	_ =	sdelay $0x1  }
0x8a: {  	s1 =	srdreg.scid  }
0x8b: {  	s0 =	sand.u32 $0x1, s1  }
0x8c: {  	s14 =	sshll.u32 s0, $0xA;
	s2 =	sadd.s32 s3, s2  }
0x8d: {  	s2 =	sadd.s32 s2, s14  }
0x8e: {  	[smem:$0x3FC5] =	sst s2  }
0x8f: {  	_ = 	snop  }
0x90: {  	s2 =	sld [smem:$0x3FD0];
	_ =	sdelay $0x2  }
0x91: {  	s15 =	simm.s32 $0xB;
	s4 =	simm.s32 $0x10  }
0x92: {  	[smem:s4], [sflag:s15] =	dma.local [hbm:s2], $0x1  }
0x93: {  	_ =	swait.eq [sflag:s15], $0x1  }
0x94: {  	[sflag:s15] =	ssyncset.done $0x0  }
0x95: {  	[sflag:s15] =	ssyncadd.s32 $0xFFFFFFFF  }
0x96: {  	s16 =	sld [smem:$0x11];
	(tm) =	ssettm $0x1  }
0x97: {  	s17 =	sld [smem:$0x3FFB];
	_ =	sdelay $0x3  }
0x98: {  	_ =	strace s17  }
0x99: {  	s3 =	sld [smem:$0x3FFC];
	_ =	sdelay $0x3  }
0x9a: {  	_ =	strace s3  }
0x9b: {  	s3 =	sld [smem:$0x3FFD];
	_ =	sdelay $0x3  }
0x9c: {  	_ =	strace s3  }
0x9d: {  	_ =	strace $0x8FFFFFFF  }
0x9e: {  	s18 =	sld [smem:$0x3FDB];
	_ =	sdelay $0x1  }
0x9f: {  	s19 =	simm.s32 $_scs_section_size  }
0xa0: {  	s5 =	simm.s32 $_size__tile_overlayer_lowered;
	s6 =	simm.s32 $_tile_overlayer_lowered  }
0xa1: {  	s22 =	simm.s32 $0x1BFF;
	s21 =	sshll.u32 s6, $0x1;
	s3 =	sadd.s32 s19, s18  }
0xa2: {  	s7 =	simm.s32 $0x0;
	s20 =	sshll.u32 s5, $0x1;
	s5 =	sadd.s32 s21, s3  }
0xa3: {  	[timem:s7], [sflag:s22] =	dma.local [hbm:s5], s20  }
0xa4: {  	_ =	swait.ge [sflag:s22], s20  }
0xa5: {  	s4 =	ssub.s32 $0x0, s20;
	[sflag:s22] =	ssyncset.done $0x0  }
0xa6: {  	[sflag:s22] =	ssyncadd.s32 s4;
	_ =	sdelay $0x1  }
0xa7: {  	s23 =	simm.s32 $0x1B8B  }
0xa8: {  	_ =	swait.ge [sflag:s23], $0x1  }
0xa9: {  	[sflag:s23] =	ssyncset.done $0x0  }
0xaa: {  	s25 =	simm.s32 $0x1B8E;
	s24 =	sld [smem:$0x3FFE];
	[sflag:s23] =	ssyncadd.s32 $0xFFFFFFFF  }
0xab: {  	s26 =	simm.s32 $execute0_lowered;
	[smem:$0x3FD2] =	sst s25  }
0xac: {  	s5 =	sshll.u32 s26, $0x1;
	_ =	strace $0x80000046;
	[dreg:$0x1] =	wrdreg $0xFFFFFFFF  }
0xad: {  	s28 =	simm.s32 $_size_execute0_lowered;
	s3 =	sadd.s32 s3, s5;
	[dreg:$0x0] =	wrdreg $0x0  }
0xae: {  	s5 =	sshll.u32 s28, $0x1;
	[dreg:$0x2] =	wrdreg s3  }
0xaf: {  	[dreg:$0x3] =	wrdreg s5  }
0xb0: {  	[dreg:$0x4] =	wrdreg $0xC0  }
0xb1: {  	_ =	task [dreg:s7], $0x5FFFF  }
0xb2: {  	[dreg:$0x1] =	wrdreg $0xFFFFFFFF  }
0xb3: {  	[dreg:$0x0] =	wrdreg $0x60  }
0xb4: {  	[dreg:$0x2] =	wrdreg s24  }
0xb5: {  	[dreg:$0x3] =	wrdreg s16  }
0xb6: {  	[dreg:$0x4] =	wrdreg $0x9  }
0xb7: {  	_ =	task.clear_ibuf [dreg:s7], $0x5FFFF;
	_ =	strace $0x90000046  }
0xb8: {  	s29 =	simm.s32 $0x9;
	_ =	strace $0x80000048  }
0xb9: {  	_ =	swait.ge [sflag:s29], $0x1  }
0xba: {  	[sflag:s29] =	ssyncadd.s32 $0xFFFFFFFF  }
0xbb: {  	_ =	strace $0x90000048  }
0xbc: {  	_ =	sfence  }
0xbd: {  	s30 =	sld [smem:$0x0];
	_ =	sdelay $0x2  }
0xbe: {  	s31 =	sshll.u32 s1, $0xD;
	s1 =	sshrl.u32 s1, $0x2  }
0xbf: {  	s3 =	sand.u32 $0x4000, s31;
	s1 =	sadd.s32 s1, s30  }
0xc0: {  	s0 =	sor.u32 s3, s0;
	s1 =	sshll.u32 s1, $0x11  }
0xc1: {  	s0 =	sor.u32 s1, s0  }
0xc2: {  	s0 =	sadd.s32 $0x8F2B, s0  }
0xc3: {  	[sflag:s0] =	ssyncadd.remote.s32 $0x1  }
0xc4: {  	_ =	sfence.sel $0xFFFF  }
0xc5: {  	[dreg:$0x0] =	wrdreg $0xFFFFFFFF;
	(pc) =	sbr.abs _section_cstart, $3  }
0xc6: {  	[dreg:$0x1] =	wrdreg $0xFFFFFFFF  }
0xc7: {  	_ =	task.clear_ibuf [dreg:s7], $0x2FFFF;
	_ =	strace $0x9FFFFFFF  }
0xc8: {  	(tm) =	ssettm $0x7FFFFFFF  }
0xc9: {  	_ =	shalt  }
tec
execute0_lowered:
.L_overlay_start_1:
0x0: {  	(tag) =	ssettag $0x1  }
0x1: {  	s8 =	rddreg [dreg:$0x0]  }
0x2: {  	s2 =	rddreg [dreg:$0x1]  }
0x3: {  	s0 =	rddreg [dreg:$0x2];
	s1 =	stileid.u32  }
0x4: {  	s3 =	srdreg.scid;
	_ =	strace $0x80000047;
	s4 =	simm.s32 $0x1  }
0x5: {  	s7 =	simm.s32 $0x1;
	s9 =	simm.s32 $0x1;
	s10 =	simm.s32 $0x3  }
0x6: {  	s13 =	simm.s32 $0x0;
	s5 =	sand.u32 $0x1, s3;
	s6 =	sshll.u32 s1, $0x1  }
0x7: {  	s12 =	simm.s32 $0x0;
	s3 =	sadd.s32 $0xCD400, s8;
	s5 =	sor.u32 s6, s5  }
.Ltmp0:
0x8: {  	[sflag:s4] =	ssyncpa.u1 $0x0;
	p0 =	slt.u32 s5, $0x13;
	(pc) =	sbr.rel .LBB2_1-.Ltmp0, $4  }
0x9: {  	s6 =	simm.s32 $0x2;
	s7 =	simm.s32 @!p0 $0x0;
	p0 =	sne.s32 s5, $0x12  }
0xa: {  	[sflag:s6] =	ssyncpa.u1 $0x0;
	s5 =	smul.u32 $0x7D0, s5;
	s9 =	simm.s32 @!p0 $0x0  }
0xb: {  	s8 =	sadd.s32 $0xC5600, s8;
	[sflag:s10] =	ssyncpa.u1 $0x0;
	s7 =	sadd.s32 s9, s7  }
0xc: {  	vm0 =	vmmov $0xffff;
	s10 =	simm.s32 $0x0;
	s11 =	smov.u32 s5;
	s9 =	sadd.s32 $0x1, s7  }
.LBB2_4:
0xd: {  	v2 =	vnsel vm1, $0x0, v2  }
0xe: {  	vm1 =	vgt.s32 v0, $0x0;
	v2 =	vmin.u32 v2, $0x61A7FF  }
0xf: {  	v0 =	vnsel vm1, $0x0, v0  }
0x10: {  	v0 =	vmin.u32 v0, $0x61A7FF  }
0x11: {  	[tilespmem:s18], [sflag:$0x1] =	stream.indirect_vreg.gather [hbm4b:s3+s10], $0x1, v1, vm0, $0x4038;
	[tilespmem:$0x1F40] =	vst v63  }
0x12: {  	(ifvalue) =	ssetifvalue $0x7FFFFFFF  }
0x13: {  	[tilespmem:s15], [sflag:$0x1] =	stream.indirect_vreg.gather [hbm4b:s3+s10], $0x1, v2, vm0, $0x4038;
	[tilespmem:$0x1F40] =	vst v63  }
0x14: {  	s29 =	sadd.s32 $0x10, s15;
	(ifvalue) =	ssetifvalue $0x7FFFFFFF  }
0x15: {  	[tilespmem:s29], [sflag:$0x1] =	stream.indirect_vreg.gather [hbm4b:s3+s10], $0x1, v0, vm0, $0x4038;
	[tilespmem:$0x1F40] =	vst v63  }
0x16: {  	_ =	swait.ge [sflag:s4], $0x7D0  }
0x17: {  	s30 =	sshrl.u32 s13, $0x3;
	[sflag:s4] =	ssyncset.done $0x0  }
0x18: {  	s31 =	sand.u32 $0x7, s13;
	s15 =	sadd.s32 s8, s30;
	[sflag:s4] =	ssyncadd.s32 $0xFFFFF830  }
0x19: {  	[hbm4b:s15+s31] =	stream.linear.scatter [tilespmem:s14], [sflag:$0x3], $0x7D0, $0x38;
	[tilespmem:$0x1F40] =	vst v63  }
.LBB2_5:
0x1a: {  	s15 =	sadd.s32 $0xFA00, s11  }
0x1b: {  	p1 =	sgt.s32 s15, $0x1869F  }
0x1c: {  	s15 =	smov.u32 @p1 s5;
	p1 =	sne.s32 s12, s9  }
.Ltmp1:
0x1d: {  	p0 =	slt.u32 s12, $0x2;
	(pc) =	sbr.rel @!p1 .LBB2_6-.Ltmp1, $4  }
0x1e: {  	s14 =	simm.s32 @!p0 $0x3  }
0x1f: {  	_ =	swait.ge @!p0 [sflag:s14], $0x7D0  }
0x20: {  	s16 =	sadd.s32 $0x1, s12;
	s13 =	smov.u32 s11;
	[sflag:s14] =	ssyncset.done @!p0 $0x0  }
0x21: {  	s12 =	smov.u32 s16;
	s11 =	smov.u32 s15;
	[sflag:s14] =	ssyncadd.s32 @!p0 $0xFFFFF830  }
.LBB2_1:
0x22: {  	p0 =	sge.u32 s12, s7  }
0x23: {  	s14 =	sxor.u32 @!p0 $0x1, s12  }
0x24: {  	s14 =	smul.u32 @!p0 $0x1F40, s14  }
0x25: {  	s31 =	sadd.s32 $0xFFFFFFFF, s12;
	s15 =	sshrl.u32 @!p0 s11, $0x3  }
0x26: {  	s16 =	sand.u32 @!p0 $0x7, s11;
	s15 =	sadd.s32 @!p0 s2, s15;
	s14 =	sshra.s32 @!p0 s14, $0x2  }
0x27: {  	[tilespmem:s14], [sflag:$0x2] =	stream.linear.gather @!p0 [hbm4b:s15+s16], $0x7D0, $0x38;
	[tilespmem:$0x1F40] =	vst v63  }
0x28: {  	p0 =	sge.u32 s31, s7  }
.Ltmp2:
0x29: {  	_ = 	snop;
	(pc) =	sbr.rel @p0 .LBB2_5-.Ltmp2, $1  }
0x2a: {  	_ =	sdelay $0x3  }
0x2b: {  	s14 =	sand.u32 $0x1, s12  }
0x2c: {  	_ =	swait.ge [sflag:s6], $0x7D0;
	p0 =	seq.s32 s14, $0x1;
	s14 =	simm.s32 $0x7D0  }
0x2d: {  	[sflag:s6] =	ssyncset.done $0x0;
	s14 =	simm.s32 @!p0 $0x0  }
0x2e: {  	[sflag:s6] =	ssyncadd.s32 $0xFFFFF830;
	(ifvalue) =	ssetifvalue $0x7FFFFFFF;
	v0 =	vld.msk [tilespmem:s14+$0x0 ss:$0x1], $0xffff;
	_ =	sdelay $0x4  }
0x2f: {  	s15 =	sadd.s32 $0x10, s14;
	vm1 =	vgt.s32 v0, $0x0  }
0x30: {  	v2 =	vld.msk [tilespmem:s15+$0x0 ss:$0x1], $0xffff;
	v1 =	vnsel vm1, $0x0, v0  }
0x31: {  	v1 =	vmin.u32 v1, $0x61A7FF;
	_ =	sdelay $0x2  }
0x32: {  	s17 =	simm.s32 $0x20;
	s14 =	sadd.s32 $0xFA0, s14;
	s16 =	sadd.s32 $0x10, s15  }
0x33: {  	s15 =	sadd.s32 $0x10, s14;
	s18 =	smov.u32 s14;
	v0 =	vld.msk [tilespmem:s16+$0x0 ss:$0x1], $0xffff;
	vm1 =	vgt.s32 v2, $0x0;
	(ifvalue) =	ssetifvalue $0x7FFFFFFF  }
.LBB2_3:
0x34: {  	[tilespmem:s18], [sflag:$0x1] =	stream.indirect_vreg.gather [hbm4b:s3+s10], $0x1, v1, vm0, $0x4038;
	[tilespmem:$0x1F40] =	vst v63  }
0x35: {  	s17 =	sadd.s32 $0x10, s17  }
0x36: {  	v2 =	vnsel vm1, $0x0, v2;
	p0 =	slt.u32 s17, $0x7C0  }
.Ltmp3:
0x37: {  	s18 =	smov.u32 s15;
	v1 =	vmin.u32 v2, $0x61A7FF;
	(pc) =	sbr.rel @p0 .LBB2_3-.Ltmp3, $3  }
0x38: {  	_ =	sdelay $0x1  }
0x39: {  	s16 =	sadd.s32 $0x10, s16  }
0x3a: {  	vm1 =	vgt.s32 v0, $0x0;
	s15 =	sadd.s32 $0x10, s15;
	v2 =	vmov v0;
	(ifvalue) =	ssetifvalue $0x7FFFFFFF;
	v0 =	vld.msk [tilespmem:s16+$0x0 ss:$0x1], $0xffff  }
.Ltmp4:
0x3b: {  	_ = 	snop;
	(pc) =	sbr.rel .LBB2_4-.Ltmp4, $1  }
0x3c: {  	_ =	sdelay $0x3  }
.LBB2_6:
0x3d: {  	_ =	sfence.sel $0x180000  }
0x3e: {  	s2 =	simm.s32 $0x2;
	[bflag:$0x0] =	sbarrier.arrive $0xFFFF  }
0x3f: {  	s30 =	simm.s32 $0x3;
	[sflag:s2] =	ssyncpa.u1 $0x1  }
0x40: {  	s31 =	simm.s32 $0x1;
	[sflag:s30] =	ssyncpa.u1 $0x1  }
0x41: {  	[sflag:s31] =	ssyncpa.u1 $0x1  }
0x42: {  	p0 =	sne.s32 s1, $0x0;
	_ =	strace $0x90000047  }
0x43: {  	s0 =	sadd.s32 @!p0 $0x100000, s0;
	[bflag:$0x2] =	sbarrier.arrive $0xFFFF  }
0x44: {  	[sflag:s0] =	ssyncadd.tile.s32 @!p0 $0x1;
	_ =	shalt  }
.Lfunc_end2:
_tile_overlayer_lowered:
.L_overlay_start_2:
0x45: {  	(tag) =	ssettag $0x2  }
0x46: {  	s0 =	rddreg [dreg:$0x0];
	s2 =	stileid.u32  }
0x47: {  	s1 =	rddreg [dreg:$0x1];
	p0 =	sne.s32 s2, $0x0  }
0x48: {  	s3 =	rddreg [dreg:$0x2];
	[bflag:$0x3] =	sbarrier.arrive $0xFFFF;
	s2 =	simm.s32 @!p0 $0x1C01  }
0x49: {  	[timem:s3], [sflag:s2] =	dma.local @!p0 [hbm:s0], s1  }
0x4a: {  	s0 =	simm.s32 @!p0 $0x1  }
0x4b: {  	_ =	swait.ge @!p0 [sflag:s0], s1  }
0x4c: {  	s1 =	ssub.s32 @!p0 $0x0, s1;
	[sflag:s0] =	ssyncset.done @!p0 $0x0  }
0x4d: {  	[sflag:s0] =	ssyncadd.s32 @!p0 s1  }
0x4e: {  	[bflag:$0x3] =	sbarrier.arrive $0xFFFF  }
0x4f: {  	_ =	shalt  }

// kernel: gather_offload_async_start.2
scs
__scs_entry_jumppad:
0x0: {  	(pc) =	sbr.rel $0x88, $3  }
0x1: {  	(tag) =	ssettag $0x0;
	lr =	simm.s32 $0x1  }
0x2: {  	[smem:$0x3F9E] =	sst lr;
	_ =	strace $0xD0000000  }
0x3: {  	_ = 	snop  }
0x4: {  	_ = 	snop  }
0x5: {  	_ = 	snop  }
0x6: {  	_ = 	snop  }
0x7: {  	_ = 	snop  }
__scs_overlays_trampoline_lowered:
0x8: {  	[smem:$0x3FAD] =	sst s0  }
0x9: {  	[smem:$0x3FAE] =	sst s1  }
0xa: {  	[smem:$0x3FAF] =	sst s2  }
0xb: {  	[smem:$0x3FB0] =	sst s3  }
0xc: {  	[smem:$0x3FB1] =	sst s4  }
0xd: {  	[smem:$0x3FB2] =	sst s5  }
0xe: {  	[smem:$0x3FB3] =	sst s6  }
0xf: {  	[smem:$0x3FB4] =	sst s7  }
0x10: {  	[smem:$0x3FB5] =	sst s8  }
0x11: {  	[smem:$0x3FB6] =	sst s9;
	s0 =	simm.s32 @!p0 $0x0  }
0x12: {  	s1 =	sld [smem:$0x3F9C];
	s0 =	simm.s32 @p0 $0x1  }
0x13: {  	[smem:$0x3FB7] =	sst s0;
	s0 =	simm.s32 @!p1 $0x0  }
0x14: {  	s2 =	sld [smem:$0x3F9B];
	s0 =	simm.s32 @p1 $0x1  }
0x15: {  	[smem:$0x3FB8] =	sst s0;
	s0 =	simm.s32 @!p2 $0x0  }
0x16: {  	s3 =	sld [smem:$0x3FDB];
	s0 =	simm.s32 @p2 $0x1  }
0x17: {  	s4 =	simm.s32 $0x1BF5;
	[smem:$0x3FBA] =	sst s0  }
0x18: {  	s0 =	sld [smem:$0x3F9D];
	_ =	swait.ge [sflag:s4], $0x0  }
0x19: {  	s7 =	sld [smem:$0x3F9E]  }
0x1a: {  	s8 =	sadd.s32 $0xFFFFE003, lr  }
0x1b: {  	s9 =	sadd.s32 $0xFFFFFEF7, lr;
	s5 =	simm.s32 $0xFFFFFFFF;
	p2 =	slt.u32 s8, $0xFFFFF086  }
0x1c: {  	p1 =	slt.u32 s9, $0xF7A;
	s5 =	simm.s32 @!p2 $0x0  }
0x1d: {  	s5 =	simm.s32 @p1 $0x1;
	p0 =	seq.s32 s7, s2  }
0x1e: {  	s7 =	smul.u32 @!p0 $0xF7A, s2;
	p2 =	seq.s32 @!p0 s5, $0x0  }
0x1f: {  	s9 =	smul.u32 $0xF7A, s1;
	s8 =	simm.s32 @!p0 $0x1BF5;
	p2 =	por !p2, p0  }
0x20: {  	[sflag:s8] =	ssyncset.s32 @!p0 $0xFFFFF086;
	s6 =	sadd.s32 @!p0 s3, s7;
	s7 =	simm.s32 @!p0 $0x108  }
0x21: {  	s3 =	sadd.s32 s3, s9;
	s6 =	sadd.s32 @!p0 $0x88, s6;
	s7 =	simm.s32 @p2 $0x1082  }
0x22: {  	[simem:s7], [sflag:s8] =	dma.local @!p0 [hbm:s6], $0xF7A  }
0x23: {  	s9 =	sor.u32 $0xD0000000, s2;
	s6 =	simm.s32 $0x108;
	_ =	swait.ge @!p0 [sflag:s8], $0x0  }
0x24: {  	s3 =	sadd.s32 $0x88, s3;
	s6 =	simm.s32 @!p1 $0x1082;
	[sflag:s4] =	ssyncset.s32 $0xFFFFF086  }
0x25: {  	[simem:s6], [sflag:s4] =	dma.local [hbm:s3], $0xF7A  }
0x26: {  	[smem:$0x3F9E] =	sst s1;
	(tag) =	ssettag s2;
	_ =	strace s9  }
0x27: {  	s1 =	sld [smem:$0x3FAE]  }
0x28: {  	s2 =	sld [smem:$0x3FAF]  }
0x29: {  	s4 =	sld [smem:$0x3FB1]  }
0x2a: {  	p0 =	seq.s32 s5, $0x0;
	s5 =	sld [smem:$0x3FB2]  }
0x2b: {  	s6 =	sld [smem:$0x3FB3]  }
0x2c: {  	s7 =	sld [smem:$0x3FB4]  }
0x2d: {  	s3 =	simm.s32 $0x108;
	s8 =	sld [smem:$0x3FB5]  }
0x2e: {  	s3 =	simm.s32 @!p0 $0x1082;
	s9 =	sld [smem:$0x3FB6]  }
0x2f: {  	lr =	sadd.s32 s0, s3;
	s0 =	sld [smem:$0x3FAD]  }
0x30: {  	s3 =	sld [smem:$0x3FB0]  }
0x31: {  	[smem:$0x3FB9] =	sst s10  }
0x32: {  	s10 =	sld [smem:$0x3FB7];
	_ =	sdelay $0x3  }
0x33: {  	p0 =	seq.s32 s10, $0x1;
	s10 =	sld [smem:$0x3FB9];
	_ =	sdelay $0x3  }
0x34: {  	[smem:$0x3FB9] =	sst s10  }
0x35: {  	s10 =	sld [smem:$0x3FB8];
	_ =	sdelay $0x3  }
0x36: {  	p1 =	seq.s32 s10, $0x1;
	s10 =	sld [smem:$0x3FB9];
	_ =	sdelay $0x3  }
0x37: {  	[smem:$0x3FB9] =	sst s10  }
0x38: {  	s10 =	sld [smem:$0x3FBA]  }
0x39: {  	_ = 	snop;
	(pc) =	sbr.ind lr, $3  }
0x3a: {  	_ = 	snop  }
0x3b: {  	_ = 	snop  }
0x3c: {  	p2 =	seq.s32 s10, $0x1;
	s10 =	sld [smem:$0x3FB9]  }
0x3d: {  	_ =	shalt  }
0x3e: {  	_ =	shalt  }
0x3f: {  	_ =	shalt  }
0x40: {  	_ =	shalt  }
0x41: {  	_ =	shalt  }
0x42: {  	_ =	shalt  }
0x43: {  	_ =	shalt  }
0x44: {  	_ =	shalt  }
0x45: {  	_ =	shalt  }
0x46: {  	_ =	shalt  }
0x47: {  	_ =	shalt  }
0x48: {  	_ =	shalt  }
0x49: {  	_ =	shalt  }
0x4a: {  	_ =	shalt  }
0x4b: {  	_ =	shalt  }
0x4c: {  	_ =	shalt  }
0x4d: {  	_ =	shalt  }
0x4e: {  	_ =	shalt  }
0x4f: {  	_ =	shalt  }
0x50: {  	_ =	shalt  }
0x51: {  	_ =	shalt  }
0x52: {  	_ =	shalt  }
0x53: {  	_ =	shalt  }
0x54: {  	_ =	shalt  }
0x55: {  	_ =	shalt  }
0x56: {  	_ =	shalt  }
0x57: {  	_ =	shalt  }
0x58: {  	_ =	shalt  }
0x59: {  	_ =	shalt  }
0x5a: {  	_ =	shalt  }
0x5b: {  	_ =	shalt  }
0x5c: {  	_ =	shalt  }
0x5d: {  	_ =	shalt  }
0x5e: {  	_ =	shalt  }
0x5f: {  	_ =	shalt  }
0x60: {  	_ =	shalt  }
0x61: {  	_ =	shalt  }
0x62: {  	_ =	shalt  }
0x63: {  	_ =	shalt  }
0x64: {  	_ =	shalt  }
0x65: {  	_ =	shalt  }
0x66: {  	_ =	shalt  }
0x67: {  	_ =	shalt  }
0x68: {  	_ =	shalt  }
0x69: {  	_ =	shalt  }
0x6a: {  	_ =	shalt  }
0x6b: {  	_ =	shalt  }
0x6c: {  	_ =	shalt  }
0x6d: {  	_ =	shalt  }
0x6e: {  	_ =	shalt  }
0x6f: {  	_ =	shalt  }
0x70: {  	_ =	shalt  }
0x71: {  	_ =	shalt  }
0x72: {  	_ =	shalt  }
0x73: {  	_ =	shalt  }
0x74: {  	_ =	shalt  }
0x75: {  	_ =	shalt  }
0x76: {  	_ =	shalt  }
0x77: {  	_ =	shalt  }
0x78: {  	_ =	shalt  }
0x79: {  	_ =	shalt  }
0x7a: {  	_ =	shalt  }
0x7b: {  	_ =	shalt  }
0x7c: {  	_ =	shalt  }
0x7d: {  	_ =	shalt  }
0x7e: {  	_ =	shalt  }
0x7f: {  	_ =	shalt  }
0x80: {  	_ =	shalt  }
0x81: {  	_ =	shalt  }
0x82: {  	_ =	shalt  }
0x83: {  	_ =	shalt  }
0x84: {  	_ =	shalt  }
0x85: {  	_ =	shalt  }
0x86: {  	_ =	shalt  }
0x87: {  	_ =	shalt  }
.Lfunc_end0:
.L_simem_size_0:
called_computation.2_lowered:
.L_overlay_start_0:
0x88: {  	s2 =	sld [smem:$0x3FD9]  }
0x89: {  	s3 =	sld [smem:$0x3FFE];
	_ =	sdelay $0x1  }
0x8a: {  	s1 =	srdreg.scid  }
0x8b: {  	s0 =	sand.u32 $0x1, s1  }
0x8c: {  	s15 =	sshll.u32 s0, $0xA;
	s2 =	sadd.s32 s3, s2  }
0x8d: {  	s2 =	sadd.s32 s2, s15  }
0x8e: {  	[smem:$0x3FC5] =	sst s2  }
0x8f: {  	_ = 	snop  }
0x90: {  	s2 =	sld [smem:$0x3FD0];
	_ =	sdelay $0x2  }
0x91: {  	s16 =	simm.s32 $0xB;
	s4 =	simm.s32 $0x10  }
0x92: {  	[smem:s4], [sflag:s16] =	dma.local [hbm:s2], $0x1  }
0x93: {  	_ =	swait.eq [sflag:s16], $0x1  }
0x94: {  	[sflag:s16] =	ssyncset.done $0x0  }
0x95: {  	[sflag:s16] =	ssyncadd.s32 $0xFFFFFFFF  }
0x96: {  	s17 =	sld [smem:$0x11];
	(tm) =	ssettm $0x1  }
0x97: {  	s18 =	sld [smem:$0x3FFB];
	_ =	sdelay $0x3  }
0x98: {  	_ =	strace s18  }
0x99: {  	s2 =	sld [smem:$0x3FFC];
	_ =	sdelay $0x3  }
0x9a: {  	_ =	strace s2  }
0x9b: {  	s2 =	sld [smem:$0x3FFD];
	_ =	sdelay $0x3  }
0x9c: {  	_ =	strace s2  }
0x9d: {  	_ =	strace $0x8FFFFFFF  }
0x9e: {  	s19 =	sld [smem:$0x3FDB];
	_ =	sdelay $0x1  }
0x9f: {  	s20 =	simm.s32 $_scs_section_size  }
0xa0: {  	s5 =	simm.s32 $_size__tile_overlayer_lowered;
	s6 =	simm.s32 $_tile_overlayer_lowered  }
0xa1: {  	s7 =	simm.s32 $0x1BFF;
	s21 =	sshll.u32 s6, $0x1;
	s4 =	sadd.s32 s20, s19  }
0xa2: {  	s22 =	simm.s32 $0x0;
	s5 =	sshll.u32 s5, $0x1;
	s6 =	sadd.s32 s21, s4  }
0xa3: {  	[timem:s22], [sflag:s7] =	dma.local [hbm:s6], s5  }
0xa4: {  	_ =	swait.ge [sflag:s7], s5  }
0xa5: {  	s5 =	ssub.s32 $0x0, s5;
	[sflag:s7] =	ssyncset.done $0x0  }
0xa6: {  	[sflag:s7] =	ssyncadd.s32 s5;
	_ =	sdelay $0x1  }
0xa7: {  	s23 =	simm.s32 $0x1B8B  }
0xa8: {  	_ =	swait.ge [sflag:s23], $0x1  }
0xa9: {  	[sflag:s23] =	ssyncset.done $0x0  }
0xaa: {  	[sflag:s23] =	ssyncadd.s32 $0xFFFFFFFF  }
0xab: {  	s5 =	sld [smem:$0x0]  }
0xac: {  	s6 =	sand.u32 $0xFFFFFFFE, s1  }
0xad: {  	p0 =	sne.s32 s1, s6  }
0xae: {  	s6 =	sshll.u32 @p0 s6, $0xE  }
0xaf: {  	s6 =	sadd.s32 @p0 $0x11B8D, s6;
	s7 =	sshll.u32 @p0 s5, $0x11  }
0xb0: {  	s6 =	sor.u32 @p0 s7, s6  }
0xb1: {  	[sflag:s6] =	ssyncadd.remote.s32 @p0 $0x1;
	_ =	sdelay $0x1  }
0xb2: {  	s6 =	simm.s32 @p0 $0x1B8D  }
0xb3: {  	_ =	swait.eq @p0 [sflag:s6], $0x1  }
0xb4: {  	[sflag:s6] =	ssyncadd.s32 @p0 $0xFFFFFFFF  }
0xb5: {  	s7 =	sshll.u32 @!p0 s1, $0xE  }
0xb6: {  	s7 =	sor.u32 @!p0 $0x4000, s7;
	s6 =	simm.s32 @!p0 $0x1B8D  }
0xb7: {  	s5 =	sshll.u32 @!p0 s5, $0x11;
	s7 =	sadd.s32 @!p0 $0x11B8D, s7;
	_ =	swait.eq @!p0 [sflag:s6], $0x1  }
0xb8: {  	s5 =	sor.u32 @!p0 s5, s7;
	[sflag:s6] =	ssyncadd.s32 @!p0 $0xFFFFFFFF  }
0xb9: {  	s25 =	simm.s32 $0x1B8E;
	s24 =	sld [smem:$0x3FFE];
	[sflag:s5] =	ssyncadd.remote.s32 @!p0 $0x1  }
0xba: {  	s26 =	simm.s32 $execute0_lowered;
	[smem:$0x3FD2] =	sst s25  }
0xbb: {  	s6 =	sshll.u32 s26, $0x1;
	_ =	strace $0x80000049;
	[dreg:$0x1] =	wrdreg $0xFFFFFFFF  }
0xbc: {  	s28 =	simm.s32 $_size_execute0_lowered;
	s4 =	sadd.s32 s4, s6;
	[dreg:$0x0] =	wrdreg $0x0  }
0xbd: {  	s6 =	sshll.u32 s28, $0x1;
	[dreg:$0x2] =	wrdreg s4  }
0xbe: {  	[dreg:$0x3] =	wrdreg s6  }
0xbf: {  	[dreg:$0x4] =	wrdreg $0xC0  }
0xc0: {  	_ =	task [dreg:s22], $0x5FFFF  }
0xc1: {  	[dreg:$0x1] =	wrdreg $0xFFFFFFFF  }
0xc2: {  	[dreg:$0x0] =	wrdreg $0x60  }
0xc3: {  	[dreg:$0x2] =	wrdreg s24  }
0xc4: {  	[dreg:$0x3] =	wrdreg s17  }
0xc5: {  	[dreg:$0x4] =	wrdreg $0xA  }
0xc6: {  	_ =	task.clear_ibuf [dreg:s22], $0x5FFFF;
	_ =	strace $0x90000049  }
0xc7: {  	s29 =	simm.s32 $0xA;
	_ =	strace $0x8000004B  }
0xc8: {  	_ =	swait.ge [sflag:s29], $0x1  }
0xc9: {  	[sflag:s29] =	ssyncadd.s32 $0xFFFFFFFF  }
0xca: {  	_ =	strace $0x9000004B  }
0xcb: {  	_ =	sfence  }
0xcc: {  	s30 =	sld [smem:$0x0];
	_ =	sdelay $0x2  }
0xcd: {  	s31 =	sshll.u32 s1, $0xD;
	s1 =	sshrl.u32 s1, $0x2  }
0xce: {  	s4 =	sand.u32 $0x4000, s31;
	s1 =	sadd.s32 s1, s30  }
0xcf: {  	s0 =	sor.u32 s4, s0;
	s1 =	sshll.u32 s1, $0x11  }
0xd0: {  	s0 =	sor.u32 s1, s0  }
0xd1: {  	s0 =	sadd.s32 $0x8F2B, s0  }
0xd2: {  	[sflag:s0] =	ssyncadd.remote.s32 $0x1  }
0xd3: {  	_ =	sfence.sel $0xFFFF  }
0xd4: {  	[dreg:$0x0] =	wrdreg $0xFFFFFFFF;
	(pc) =	sbr.abs _section_cstart, $3  }
0xd5: {  	[dreg:$0x1] =	wrdreg $0xFFFFFFFF  }
0xd6: {  	_ =	task.clear_ibuf [dreg:s22], $0x2FFFF;
	_ =	strace $0x9FFFFFFF  }
0xd7: {  	(tm) =	ssettm $0x7FFFFFFF  }
tec
execute0_lowered:
.L_overlay_start_1:
0x0: {  	(tag) =	ssettag $0x1  }
0x1: {  	s8 =	rddreg [dreg:$0x0]  }
0x2: {  	s2 =	rddreg [dreg:$0x1]  }
0x3: {  	s0 =	rddreg [dreg:$0x2];
	s1 =	stileid.u32  }
0x4: {  	s3 =	srdreg.scid;
	_ =	strace $0x8000004A;
	s4 =	simm.s32 $0x1  }
0x5: {  	s7 =	simm.s32 $0x1;
	s9 =	simm.s32 $0x1;
	s10 =	simm.s32 $0x3  }
0x6: {  	s13 =	simm.s32 $0x0;
	s5 =	sand.u32 $0x1, s3;
	s6 =	sshll.u32 s1, $0x1  }
0x7: {  	s12 =	simm.s32 $0x0;
	s3 =	sadd.s32 $0x2000, s8;
	s5 =	sor.u32 s6, s5  }
.Ltmp0:
0x8: {  	[sflag:s4] =	ssyncpa.u1 $0x0;
	p0 =	slt.u32 s5, $0x13;
	(pc) =	sbr.rel .LBB2_1-.Ltmp0, $4  }
0x9: {  	s6 =	simm.s32 $0x2;
	s7 =	simm.s32 @!p0 $0x0;
	p0 =	sne.s32 s5, $0x12  }
0xa: {  	[sflag:s6] =	ssyncpa.u1 $0x0;
	s5 =	smul.u32 $0x7D0, s5;
	s9 =	simm.s32 @!p0 $0x0  }
0xb: {  	s8 =	sadd.s32 $0x190A00, s8;
	[sflag:s10] =	ssyncpa.u1 $0x0;
	s7 =	sadd.s32 s9, s7  }
0xc: {  	vm0 =	vmmov $0xffff;
	s10 =	simm.s32 $0x0;
	s11 =	smov.u32 s5;
	s9 =	sadd.s32 $0x1, s7  }
.LBB2_4:
0xd: {  	v2 =	vnsel vm1, $0x0, v2  }
0xe: {  	vm1 =	vgt.s32 v0, $0x0;
	v2 =	vmin.u32 v2, $0x61A7FF  }
0xf: {  	v0 =	vnsel vm1, $0x0, v0  }
0x10: {  	v0 =	vmin.u32 v0, $0x61A7FF  }
0x11: {  	[tilespmem:s18], [sflag:$0x1] =	stream.indirect_vreg.gather [hbm4b:s3+s10], $0x1, v1, vm0, $0x4038;
	[tilespmem:$0x1F40] =	vst v63  }
0x12: {  	(ifvalue) =	ssetifvalue $0x7FFFFFFF  }
0x13: {  	[tilespmem:s15], [sflag:$0x1] =	stream.indirect_vreg.gather [hbm4b:s3+s10], $0x1, v2, vm0, $0x4038;
	[tilespmem:$0x1F40] =	vst v63  }
0x14: {  	s29 =	sadd.s32 $0x10, s15;
	(ifvalue) =	ssetifvalue $0x7FFFFFFF  }
0x15: {  	[tilespmem:s29], [sflag:$0x1] =	stream.indirect_vreg.gather [hbm4b:s3+s10], $0x1, v0, vm0, $0x4038;
	[tilespmem:$0x1F40] =	vst v63  }
0x16: {  	_ =	swait.ge [sflag:s4], $0x7D0  }
0x17: {  	s30 =	sshrl.u32 s13, $0x3;
	[sflag:s4] =	ssyncset.done $0x0  }
0x18: {  	s31 =	sand.u32 $0x7, s13;
	s15 =	sadd.s32 s8, s30;
	[sflag:s4] =	ssyncadd.s32 $0xFFFFF830  }
0x19: {  	[hbm4b:s15+s31] =	stream.linear.scatter [tilespmem:s14], [sflag:$0x3], $0x7D0, $0x38;
	[tilespmem:$0x1F40] =	vst v63  }
.LBB2_5:
0x1a: {  	s15 =	sadd.s32 $0xFA00, s11  }
0x1b: {  	p1 =	sgt.s32 s15, $0x1869F  }
0x1c: {  	s15 =	smov.u32 @p1 s5;
	p1 =	sne.s32 s12, s9  }
.Ltmp1:
0x1d: {  	p0 =	slt.u32 s12, $0x2;
	(pc) =	sbr.rel @!p1 .LBB2_6-.Ltmp1, $4  }
0x1e: {  	s14 =	simm.s32 @!p0 $0x3  }
0x1f: {  	_ =	swait.ge @!p0 [sflag:s14], $0x7D0  }
0x20: {  	s16 =	sadd.s32 $0x1, s12;
	s13 =	smov.u32 s11;
	[sflag:s14] =	ssyncset.done @!p0 $0x0  }
0x21: {  	s12 =	smov.u32 s16;
	s11 =	smov.u32 s15;
	[sflag:s14] =	ssyncadd.s32 @!p0 $0xFFFFF830  }
.LBB2_1:
0x22: {  	p0 =	sge.u32 s12, s7  }
0x23: {  	s14 =	sxor.u32 @!p0 $0x1, s12  }
0x24: {  	s14 =	smul.u32 @!p0 $0x1F40, s14  }
0x25: {  	s31 =	sadd.s32 $0xFFFFFFFF, s12;
	s15 =	sshrl.u32 @!p0 s11, $0x3  }
0x26: {  	s16 =	sand.u32 @!p0 $0x7, s11;
	s15 =	sadd.s32 @!p0 s2, s15;
	s14 =	sshra.s32 @!p0 s14, $0x2  }
0x27: {  	[tilespmem:s14], [sflag:$0x2] =	stream.linear.gather @!p0 [hbm4b:s15+s16], $0x7D0, $0x38;
	[tilespmem:$0x1F40] =	vst v63  }
0x28: {  	p0 =	sge.u32 s31, s7  }
.Ltmp2:
0x29: {  	_ = 	snop;
	(pc) =	sbr.rel @p0 .LBB2_5-.Ltmp2, $1  }
0x2a: {  	_ =	sdelay $0x3  }
0x2b: {  	s14 =	sand.u32 $0x1, s12  }
0x2c: {  	_ =	swait.ge [sflag:s6], $0x7D0;
	p0 =	seq.s32 s14, $0x1;
	s14 =	simm.s32 $0x7D0  }
0x2d: {  	[sflag:s6] =	ssyncset.done $0x0;
	s14 =	simm.s32 @!p0 $0x0  }
0x2e: {  	[sflag:s6] =	ssyncadd.s32 $0xFFFFF830;
	(ifvalue) =	ssetifvalue $0x7FFFFFFF;
	v0 =	vld.msk [tilespmem:s14+$0x0 ss:$0x1], $0xffff;
	_ =	sdelay $0x4  }
0x2f: {  	s15 =	sadd.s32 $0x10, s14;
	vm1 =	vgt.s32 v0, $0x0  }
0x30: {  	v2 =	vld.msk [tilespmem:s15+$0x0 ss:$0x1], $0xffff;
	v1 =	vnsel vm1, $0x0, v0  }
0x31: {  	v1 =	vmin.u32 v1, $0x61A7FF;
	_ =	sdelay $0x2  }
0x32: {  	s17 =	simm.s32 $0x20;
	s14 =	sadd.s32 $0xFA0, s14;
	s16 =	sadd.s32 $0x10, s15  }
0x33: {  	s15 =	sadd.s32 $0x10, s14;
	s18 =	smov.u32 s14;
	v0 =	vld.msk [tilespmem:s16+$0x0 ss:$0x1], $0xffff;
	vm1 =	vgt.s32 v2, $0x0;
	(ifvalue) =	ssetifvalue $0x7FFFFFFF  }
.LBB2_3:
0x34: {  	[tilespmem:s18], [sflag:$0x1] =	stream.indirect_vreg.gather [hbm4b:s3+s10], $0x1, v1, vm0, $0x4038;
	[tilespmem:$0x1F40] =	vst v63  }
0x35: {  	s17 =	sadd.s32 $0x10, s17  }
0x36: {  	v2 =	vnsel vm1, $0x0, v2;
	p0 =	slt.u32 s17, $0x7C0  }
.Ltmp3:
0x37: {  	s18 =	smov.u32 s15;
	v1 =	vmin.u32 v2, $0x61A7FF;
	(pc) =	sbr.rel @p0 .LBB2_3-.Ltmp3, $3  }
0x38: {  	_ =	sdelay $0x1  }
0x39: {  	s16 =	sadd.s32 $0x10, s16  }
0x3a: {  	vm1 =	vgt.s32 v0, $0x0;
	s15 =	sadd.s32 $0x10, s15;
	v2 =	vmov v0;
	(ifvalue) =	ssetifvalue $0x7FFFFFFF;
	v0 =	vld.msk [tilespmem:s16+$0x0 ss:$0x1], $0xffff  }
.Ltmp4:
0x3b: {  	_ = 	snop;
	(pc) =	sbr.rel .LBB2_4-.Ltmp4, $1  }
0x3c: {  	_ =	sdelay $0x3  }
.LBB2_6:
0x3d: {  	_ =	sfence.sel $0x180000  }
0x3e: {  	s2 =	simm.s32 $0x2;
	[bflag:$0x0] =	sbarrier.arrive $0xFFFF  }
0x3f: {  	s30 =	simm.s32 $0x3;
	[sflag:s2] =	ssyncpa.u1 $0x1  }
0x40: {  	s31 =	simm.s32 $0x1;
	[sflag:s30] =	ssyncpa.u1 $0x1  }
0x41: {  	[sflag:s31] =	ssyncpa.u1 $0x1  }
0x42: {  	p0 =	sne.s32 s1, $0x0;
	_ =	strace $0x9000004A  }
0x43: {  	s0 =	sadd.s32 @!p0 $0x100000, s0;
	[bflag:$0x2] =	sbarrier.arrive $0xFFFF  }
0x44: {  	[sflag:s0] =	ssyncadd.tile.s32 @!p0 $0x1;
	_ =	shalt  }
.Lfunc_end2:
_tile_overlayer_lowered:
.L_overlay_start_2:
0x45: {  	(tag) =	ssettag $0x2  }
0x46: {  	s0 =	rddreg [dreg:$0x0];
	s2 =	stileid.u32  }
0x47: {  	s1 =	rddreg [dreg:$0x1];
	p0 =	sne.s32 s2, $0x0  }
0x48: {  	s3 =	rddreg [dreg:$0x2];
	[bflag:$0x3] =	sbarrier.arrive $0xFFFF;
	s2 =	simm.s32 @!p0 $0x1C01  }
0x49: {  	[timem:s3], [sflag:s2] =	dma.local @!p0 [hbm:s0], s1  }
0x4a: {  	s0 =	simm.s32 @!p0 $0x1  }
0x4b: {  	_ =	swait.ge @!p0 [sflag:s0], s1  }
0x4c: {  	s1 =	ssub.s32 @!p0 $0x0, s1;
	[sflag:s0] =	ssyncset.done @!p0 $0x0  }
0x4d: {  	[sflag:s0] =	ssyncadd.s32 @!p0 s1  }
0x4e: {  	[bflag:$0x3] =	sbarrier.arrive $0xFFFF  }
0x4f: {  	_ =	shalt  }

// kernel: gather_offload_async_start
scs
__scs_entry_jumppad:
0x0: {  	(pc) =	sbr.rel $0x88, $3  }
0x1: {  	(tag) =	ssettag $0x0;
	lr =	simm.s32 $0x1  }
0x2: {  	[smem:$0x3F9E] =	sst lr;
	_ =	strace $0xD0000000  }
0x3: {  	_ = 	snop  }
0x4: {  	_ = 	snop  }
0x5: {  	_ = 	snop  }
0x6: {  	_ = 	snop  }
0x7: {  	_ = 	snop  }
__scs_overlays_trampoline_lowered:
0x8: {  	[smem:$0x3FAD] =	sst s0  }
0x9: {  	[smem:$0x3FAE] =	sst s1  }
0xa: {  	[smem:$0x3FAF] =	sst s2  }
0xb: {  	[smem:$0x3FB0] =	sst s3  }
0xc: {  	[smem:$0x3FB1] =	sst s4  }
0xd: {  	[smem:$0x3FB2] =	sst s5  }
0xe: {  	[smem:$0x3FB3] =	sst s6  }
0xf: {  	[smem:$0x3FB4] =	sst s7  }
0x10: {  	[smem:$0x3FB5] =	sst s8  }
0x11: {  	[smem:$0x3FB6] =	sst s9;
	s0 =	simm.s32 @!p0 $0x0  }
0x12: {  	s1 =	sld [smem:$0x3F9C];
	s0 =	simm.s32 @p0 $0x1  }
0x13: {  	[smem:$0x3FB7] =	sst s0;
	s0 =	simm.s32 @!p1 $0x0  }
0x14: {  	s2 =	sld [smem:$0x3F9B];
	s0 =	simm.s32 @p1 $0x1  }
0x15: {  	[smem:$0x3FB8] =	sst s0;
	s0 =	simm.s32 @!p2 $0x0  }
0x16: {  	s3 =	sld [smem:$0x3FDB];
	s0 =	simm.s32 @p2 $0x1  }
0x17: {  	s4 =	simm.s32 $0x1BF5;
	[smem:$0x3FBA] =	sst s0  }
0x18: {  	s0 =	sld [smem:$0x3F9D];
	_ =	swait.ge [sflag:s4], $0x0  }
0x19: {  	s7 =	sld [smem:$0x3F9E]  }
0x1a: {  	s8 =	sadd.s32 $0xFFFFE003, lr  }
0x1b: {  	s9 =	sadd.s32 $0xFFFFFEF7, lr;
	s5 =	simm.s32 $0xFFFFFFFF;
	p2 =	slt.u32 s8, $0xFFFFF086  }
0x1c: {  	p1 =	slt.u32 s9, $0xF7A;
	s5 =	simm.s32 @!p2 $0x0  }
0x1d: {  	s5 =	simm.s32 @p1 $0x1;
	p0 =	seq.s32 s7, s2  }
0x1e: {  	s7 =	smul.u32 @!p0 $0xF7A, s2;
	p2 =	seq.s32 @!p0 s5, $0x0  }
0x1f: {  	s9 =	smul.u32 $0xF7A, s1;
	s8 =	simm.s32 @!p0 $0x1BF5;
	p2 =	por !p2, p0  }
0x20: {  	[sflag:s8] =	ssyncset.s32 @!p0 $0xFFFFF086;
	s6 =	sadd.s32 @!p0 s3, s7;
	s7 =	simm.s32 @!p0 $0x108  }
0x21: {  	s3 =	sadd.s32 s3, s9;
	s6 =	sadd.s32 @!p0 $0x88, s6;
	s7 =	simm.s32 @p2 $0x1082  }
0x22: {  	[simem:s7], [sflag:s8] =	dma.local @!p0 [hbm:s6], $0xF7A  }
0x23: {  	s9 =	sor.u32 $0xD0000000, s2;
	s6 =	simm.s32 $0x108;
	_ =	swait.ge @!p0 [sflag:s8], $0x0  }
0x24: {  	s3 =	sadd.s32 $0x88, s3;
	s6 =	simm.s32 @!p1 $0x1082;
	[sflag:s4] =	ssyncset.s32 $0xFFFFF086  }
0x25: {  	[simem:s6], [sflag:s4] =	dma.local [hbm:s3], $0xF7A  }
0x26: {  	[smem:$0x3F9E] =	sst s1;
	(tag) =	ssettag s2;
	_ =	strace s9  }
0x27: {  	s1 =	sld [smem:$0x3FAE]  }
0x28: {  	s2 =	sld [smem:$0x3FAF]  }
0x29: {  	s4 =	sld [smem:$0x3FB1]  }
0x2a: {  	p0 =	seq.s32 s5, $0x0;
	s5 =	sld [smem:$0x3FB2]  }
0x2b: {  	s6 =	sld [smem:$0x3FB3]  }
0x2c: {  	s7 =	sld [smem:$0x3FB4]  }
0x2d: {  	s3 =	simm.s32 $0x108;
	s8 =	sld [smem:$0x3FB5]  }
0x2e: {  	s3 =	simm.s32 @!p0 $0x1082;
	s9 =	sld [smem:$0x3FB6]  }
0x2f: {  	lr =	sadd.s32 s0, s3;
	s0 =	sld [smem:$0x3FAD]  }
0x30: {  	s3 =	sld [smem:$0x3FB0]  }
0x31: {  	[smem:$0x3FB9] =	sst s10  }
0x32: {  	s10 =	sld [smem:$0x3FB7];
	_ =	sdelay $0x3  }
0x33: {  	p0 =	seq.s32 s10, $0x1;
	s10 =	sld [smem:$0x3FB9];
	_ =	sdelay $0x3  }
0x34: {  	[smem:$0x3FB9] =	sst s10  }
0x35: {  	s10 =	sld [smem:$0x3FB8];
	_ =	sdelay $0x3  }
0x36: {  	p1 =	seq.s32 s10, $0x1;
	s10 =	sld [smem:$0x3FB9];
	_ =	sdelay $0x3  }
0x37: {  	[smem:$0x3FB9] =	sst s10  }
0x38: {  	s10 =	sld [smem:$0x3FBA]  }
0x39: {  	_ = 	snop;
	(pc) =	sbr.ind lr, $3  }
0x3a: {  	_ = 	snop  }
0x3b: {  	_ = 	snop  }
0x3c: {  	p2 =	seq.s32 s10, $0x1;
	s10 =	sld [smem:$0x3FB9]  }
0x3d: {  	_ =	shalt  }
0x3e: {  	_ =	shalt  }
0x3f: {  	_ =	shalt  }
0x40: {  	_ =	shalt  }
0x41: {  	_ =	shalt  }
0x42: {  	_ =	shalt  }
0x43: {  	_ =	shalt  }
0x44: {  	_ =	shalt  }
0x45: {  	_ =	shalt  }
0x46: {  	_ =	shalt  }
0x47: {  	_ =	shalt  }
0x48: {  	_ =	shalt  }
0x49: {  	_ =	shalt  }
0x4a: {  	_ =	shalt  }
0x4b: {  	_ =	shalt  }
0x4c: {  	_ =	shalt  }
0x4d: {  	_ =	shalt  }
0x4e: {  	_ =	shalt  }
0x4f: {  	_ =	shalt  }
0x50: {  	_ =	shalt  }
0x51: {  	_ =	shalt  }
0x52: {  	_ =	shalt  }
0x53: {  	_ =	shalt  }
0x54: {  	_ =	shalt  }
0x55: {  	_ =	shalt  }
0x56: {  	_ =	shalt  }
0x57: {  	_ =	shalt  }
0x58: {  	_ =	shalt  }
0x59: {  	_ =	shalt  }
0x5a: {  	_ =	shalt  }
0x5b: {  	_ =	shalt  }
0x5c: {  	_ =	shalt  }
0x5d: {  	_ =	shalt  }
0x5e: {  	_ =	shalt  }
0x5f: {  	_ =	shalt  }
0x60: {  	_ =	shalt  }
0x61: {  	_ =	shalt  }
0x62: {  	_ =	shalt  }
0x63: {  	_ =	shalt  }
0x64: {  	_ =	shalt  }
0x65: {  	_ =	shalt  }
0x66: {  	_ =	shalt  }
0x67: {  	_ =	shalt  }
0x68: {  	_ =	shalt  }
0x69: {  	_ =	shalt  }
0x6a: {  	_ =	shalt  }
0x6b: {  	_ =	shalt  }
0x6c: {  	_ =	shalt  }
0x6d: {  	_ =	shalt  }
0x6e: {  	_ =	shalt  }
0x6f: {  	_ =	shalt  }
0x70: {  	_ =	shalt  }
0x71: {  	_ =	shalt  }
0x72: {  	_ =	shalt  }
0x73: {  	_ =	shalt  }
0x74: {  	_ =	shalt  }
0x75: {  	_ =	shalt  }
0x76: {  	_ =	shalt  }
0x77: {  	_ =	shalt  }
0x78: {  	_ =	shalt  }
0x79: {  	_ =	shalt  }
0x7a: {  	_ =	shalt  }
0x7b: {  	_ =	shalt  }
0x7c: {  	_ =	shalt  }
0x7d: {  	_ =	shalt  }
0x7e: {  	_ =	shalt  }
0x7f: {  	_ =	shalt  }
0x80: {  	_ =	shalt  }
0x81: {  	_ =	shalt  }
0x82: {  	_ =	shalt  }
0x83: {  	_ =	shalt  }
0x84: {  	_ =	shalt  }
0x85: {  	_ =	shalt  }
0x86: {  	_ =	shalt  }
0x87: {  	_ =	shalt  }
.Lfunc_end0:
.L_simem_size_0:
called_computation_lowered:
.L_overlay_start_0:
0x88: {  	s2 =	sld [smem:$0x3FD9]  }
0x89: {  	s3 =	sld [smem:$0x3FFE];
	_ =	sdelay $0x1  }
0x8a: {  	s1 =	srdreg.scid  }
0x8b: {  	s0 =	sand.u32 $0x1, s1  }
0x8c: {  	s14 =	sshll.u32 s0, $0xA;
	s2 =	sadd.s32 s3, s2  }
0x8d: {  	s2 =	sadd.s32 s2, s14  }
0x8e: {  	[smem:$0x3FC5] =	sst s2  }
0x8f: {  	_ = 	snop  }
0x90: {  	s2 =	sld [smem:$0x3FD0];
	_ =	sdelay $0x2  }
0x91: {  	s15 =	simm.s32 $0xB;
	s4 =	simm.s32 $0x10  }
0x92: {  	[smem:s4], [sflag:s15] =	dma.local [hbm:s2], $0x1  }
0x93: {  	_ =	swait.eq [sflag:s15], $0x1  }
0x94: {  	[sflag:s15] =	ssyncset.done $0x0  }
0x95: {  	[sflag:s15] =	ssyncadd.s32 $0xFFFFFFFF  }
0x96: {  	s16 =	sld [smem:$0x10];
	(tm) =	ssettm $0x1  }
0x97: {  	s17 =	sld [smem:$0x3FFB];
	_ =	sdelay $0x3  }
0x98: {  	_ =	strace s17  }
0x99: {  	s3 =	sld [smem:$0x3FFC];
	_ =	sdelay $0x3  }
0x9a: {  	_ =	strace s3  }
0x9b: {  	s3 =	sld [smem:$0x3FFD];
	_ =	sdelay $0x3  }
0x9c: {  	_ =	strace s3  }
0x9d: {  	_ =	strace $0x8FFFFFFF  }
0x9e: {  	s18 =	sld [smem:$0x3FDB];
	_ =	sdelay $0x1  }
0x9f: {  	s19 =	simm.s32 $_scs_section_size  }
0xa0: {  	s5 =	simm.s32 $_size__tile_overlayer_lowered;
	s6 =	simm.s32 $_tile_overlayer_lowered  }
0xa1: {  	s22 =	simm.s32 $0x1BFF;
	s21 =	sshll.u32 s6, $0x1;
	s3 =	sadd.s32 s19, s18  }
0xa2: {  	s7 =	simm.s32 $0x0;
	s20 =	sshll.u32 s5, $0x1;
	s5 =	sadd.s32 s21, s3  }
0xa3: {  	[timem:s7], [sflag:s22] =	dma.local [hbm:s5], s20  }
0xa4: {  	_ =	swait.ge [sflag:s22], s20  }
0xa5: {  	s4 =	ssub.s32 $0x0, s20;
	[sflag:s22] =	ssyncset.done $0x0  }
0xa6: {  	[sflag:s22] =	ssyncadd.s32 s4;
	_ =	sdelay $0x1  }
0xa7: {  	s23 =	simm.s32 $0x1B8B  }
0xa8: {  	_ =	swait.ge [sflag:s23], $0x1  }
0xa9: {  	[sflag:s23] =	ssyncset.done $0x0  }
0xaa: {  	s25 =	simm.s32 $0x1B8E;
	s24 =	sld [smem:$0x3FFE];
	[sflag:s23] =	ssyncadd.s32 $0xFFFFFFFF  }
0xab: {  	s26 =	simm.s32 $execute0_lowered;
	[smem:$0x3FD2] =	sst s25  }
0xac: {  	s5 =	sshll.u32 s26, $0x1;
	_ =	strace $0x8000004C;
	[dreg:$0x1] =	wrdreg $0xFFFFFFFF  }
0xad: {  	s28 =	simm.s32 $_size_execute0_lowered;
	s3 =	sadd.s32 s3, s5;
	[dreg:$0x0] =	wrdreg $0x0  }
0xae: {  	s5 =	sshll.u32 s28, $0x1;
	[dreg:$0x2] =	wrdreg s3  }
0xaf: {  	[dreg:$0x3] =	wrdreg s5  }
0xb0: {  	[dreg:$0x4] =	wrdreg $0xC0  }
0xb1: {  	_ =	task [dreg:s7], $0x5FFFF  }
0xb2: {  	[dreg:$0x1] =	wrdreg $0xFFFFFFFF  }
0xb3: {  	[dreg:$0x0] =	wrdreg $0x60  }
0xb4: {  	[dreg:$0x2] =	wrdreg s16  }
0xb5: {  	[dreg:$0x3] =	wrdreg s24  }
0xb6: {  	[dreg:$0x4] =	wrdreg $0x9  }
0xb7: {  	_ =	task.clear_ibuf [dreg:s7], $0x5FFFF;
	_ =	strace $0x9000004C  }
0xb8: {  	s29 =	simm.s32 $0x9;
	_ =	strace $0x8000004E  }
0xb9: {  	_ =	swait.ge [sflag:s29], $0x1  }
0xba: {  	[sflag:s29] =	ssyncadd.s32 $0xFFFFFFFF  }
0xbb: {  	_ =	strace $0x9000004E  }
0xbc: {  	_ =	sfence  }
0xbd: {  	s30 =	sld [smem:$0x0];
	_ =	sdelay $0x2  }
0xbe: {  	s31 =	sshll.u32 s1, $0xD;
	s1 =	sshrl.u32 s1, $0x2  }
0xbf: {  	s3 =	sand.u32 $0x4000, s31;
	s1 =	sadd.s32 s1, s30  }
0xc0: {  	s0 =	sor.u32 s3, s0;
	s1 =	sshll.u32 s1, $0x11  }
0xc1: {  	s0 =	sor.u32 s1, s0  }
0xc2: {  	s0 =	sadd.s32 $0x8F2B, s0  }
0xc3: {  	[sflag:s0] =	ssyncadd.remote.s32 $0x1  }
0xc4: {  	_ =	sfence.sel $0xFFFF  }
0xc5: {  	[dreg:$0x0] =	wrdreg $0xFFFFFFFF;
	(pc) =	sbr.abs _section_cstart, $3  }
0xc6: {  	[dreg:$0x1] =	wrdreg $0xFFFFFFFF  }
0xc7: {  	_ =	task.clear_ibuf [dreg:s7], $0x2FFFF;
	_ =	strace $0x9FFFFFFF  }
0xc8: {  	(tm) =	ssettm $0x7FFFFFFF  }
0xc9: {  	_ =	shalt  }
tec
execute0_lowered:
.L_overlay_start_1:
0x0: {  	(tag) =	ssettag $0x1  }
0x1: {  	s2 =	rddreg [dreg:$0x0]  }
0x2: {  	s8 =	rddreg [dreg:$0x1]  }
0x3: {  	s0 =	rddreg [dreg:$0x2];
	s1 =	stileid.u32  }
0x4: {  	s3 =	srdreg.scid;
	_ =	strace $0x8000004D;
	s4 =	simm.s32 $0x1  }
0x5: {  	s7 =	simm.s32 $0x1;
	s9 =	simm.s32 $0x1;
	s10 =	simm.s32 $0x3  }
0x6: {  	s13 =	simm.s32 $0x0;
	s5 =	sand.u32 $0x1, s3;
	s6 =	sshll.u32 s1, $0x1  }
0x7: {  	s12 =	simm.s32 $0x0;
	s3 =	sadd.s32 $0xCD400, s8;
	s5 =	sor.u32 s6, s5  }
.Ltmp0:
0x8: {  	[sflag:s4] =	ssyncpa.u1 $0x0;
	p0 =	slt.u32 s5, $0x13;
	(pc) =	sbr.rel .LBB2_1-.Ltmp0, $4  }
0x9: {  	s6 =	simm.s32 $0x2;
	s7 =	simm.s32 @!p0 $0x0;
	p0 =	sne.s32 s5, $0x12  }
0xa: {  	[sflag:s6] =	ssyncpa.u1 $0x0;
	s5 =	smul.u32 $0x7D0, s5;
	s9 =	simm.s32 @!p0 $0x0  }
0xb: {  	s8 =	sadd.s32 $0xD0600, s8;
	[sflag:s10] =	ssyncpa.u1 $0x0;
	s7 =	sadd.s32 s9, s7  }
0xc: {  	vm0 =	vmmov $0xffff;
	s10 =	simm.s32 $0x0;
	s11 =	smov.u32 s5;
	s9 =	sadd.s32 $0x1, s7  }
.LBB2_4:
0xd: {  	v2 =	vnsel vm1, $0x0, v2  }
0xe: {  	vm1 =	vgt.s32 v0, $0x0;
	v2 =	vmin.u32 v2, $0x61A7FF  }
0xf: {  	v0 =	vnsel vm1, $0x0, v0  }
0x10: {  	v0 =	vmin.u32 v0, $0x61A7FF  }
0x11: {  	[tilespmem:s18], [sflag:$0x1] =	stream.indirect_vreg.gather [hbm4b:s2+s10], $0x1, v1, vm0, $0x4038;
	[tilespmem:$0x1F40] =	vst v63  }
0x12: {  	(ifvalue) =	ssetifvalue $0x7FFFFFFF  }
0x13: {  	[tilespmem:s15], [sflag:$0x1] =	stream.indirect_vreg.gather [hbm4b:s2+s10], $0x1, v2, vm0, $0x4038;
	[tilespmem:$0x1F40] =	vst v63  }
0x14: {  	s29 =	sadd.s32 $0x10, s15;
	(ifvalue) =	ssetifvalue $0x7FFFFFFF  }
0x15: {  	[tilespmem:s29], [sflag:$0x1] =	stream.indirect_vreg.gather [hbm4b:s2+s10], $0x1, v0, vm0, $0x4038;
	[tilespmem:$0x1F40] =	vst v63  }
0x16: {  	_ =	swait.ge [sflag:s4], $0x7D0  }
0x17: {  	s30 =	sshrl.u32 s13, $0x3;
	[sflag:s4] =	ssyncset.done $0x0  }
0x18: {  	s31 =	sand.u32 $0x7, s13;
	s15 =	sadd.s32 s8, s30;
	[sflag:s4] =	ssyncadd.s32 $0xFFFFF830  }
0x19: {  	[hbm4b:s15+s31] =	stream.linear.scatter [tilespmem:s14], [sflag:$0x3], $0x7D0, $0x38;
	[tilespmem:$0x1F40] =	vst v63  }
.LBB2_5:
0x1a: {  	s15 =	sadd.s32 $0xFA00, s11  }
0x1b: {  	p1 =	sgt.s32 s15, $0x1869F  }
0x1c: {  	s15 =	smov.u32 @p1 s5;
	p1 =	sne.s32 s12, s9  }
.Ltmp1:
0x1d: {  	p0 =	slt.u32 s12, $0x2;
	(pc) =	sbr.rel @!p1 .LBB2_6-.Ltmp1, $4  }
0x1e: {  	s14 =	simm.s32 @!p0 $0x3  }
0x1f: {  	_ =	swait.ge @!p0 [sflag:s14], $0x7D0  }
0x20: {  	s16 =	sadd.s32 $0x1, s12;
	s13 =	smov.u32 s11;
	[sflag:s14] =	ssyncset.done @!p0 $0x0  }
0x21: {  	s12 =	smov.u32 s16;
	s11 =	smov.u32 s15;
	[sflag:s14] =	ssyncadd.s32 @!p0 $0xFFFFF830  }
.LBB2_1:
0x22: {  	p0 =	sge.u32 s12, s7  }
0x23: {  	s14 =	sxor.u32 @!p0 $0x1, s12  }
0x24: {  	s14 =	smul.u32 @!p0 $0x1F40, s14  }
0x25: {  	s31 =	sadd.s32 $0xFFFFFFFF, s12;
	s15 =	sshrl.u32 @!p0 s11, $0x3  }
0x26: {  	s16 =	sand.u32 @!p0 $0x7, s11;
	s15 =	sadd.s32 @!p0 s3, s15;
	s14 =	sshra.s32 @!p0 s14, $0x2  }
0x27: {  	[tilespmem:s14], [sflag:$0x2] =	stream.linear.gather @!p0 [hbm4b:s15+s16], $0x7D0, $0x38;
	[tilespmem:$0x1F40] =	vst v63  }
0x28: {  	p0 =	sge.u32 s31, s7  }
.Ltmp2:
0x29: {  	_ = 	snop;
	(pc) =	sbr.rel @p0 .LBB2_5-.Ltmp2, $1  }
0x2a: {  	_ =	sdelay $0x3  }
0x2b: {  	s14 =	sand.u32 $0x1, s12  }
0x2c: {  	_ =	swait.ge [sflag:s6], $0x7D0;
	p0 =	seq.s32 s14, $0x1;
	s14 =	simm.s32 $0x7D0  }
0x2d: {  	[sflag:s6] =	ssyncset.done $0x0;
	s14 =	simm.s32 @!p0 $0x0  }
0x2e: {  	[sflag:s6] =	ssyncadd.s32 $0xFFFFF830;
	(ifvalue) =	ssetifvalue $0x7FFFFFFF;
	v0 =	vld.msk [tilespmem:s14+$0x0 ss:$0x1], $0xffff;
	_ =	sdelay $0x4  }
0x2f: {  	s15 =	sadd.s32 $0x10, s14;
	vm1 =	vgt.s32 v0, $0x0  }
0x30: {  	v2 =	vld.msk [tilespmem:s15+$0x0 ss:$0x1], $0xffff;
	v1 =	vnsel vm1, $0x0, v0  }
0x31: {  	v1 =	vmin.u32 v1, $0x61A7FF;
	_ =	sdelay $0x2  }
0x32: {  	s17 =	simm.s32 $0x20;
	s14 =	sadd.s32 $0xFA0, s14;
	s16 =	sadd.s32 $0x10, s15  }
0x33: {  	s15 =	sadd.s32 $0x10, s14;
	s18 =	smov.u32 s14;
	v0 =	vld.msk [tilespmem:s16+$0x0 ss:$0x1], $0xffff;
	vm1 =	vgt.s32 v2, $0x0;
	(ifvalue) =	ssetifvalue $0x7FFFFFFF  }
.LBB2_3:
0x34: {  	[tilespmem:s18], [sflag:$0x1] =	stream.indirect_vreg.gather [hbm4b:s2+s10], $0x1, v1, vm0, $0x4038;
	[tilespmem:$0x1F40] =	vst v63  }
0x35: {  	s17 =	sadd.s32 $0x10, s17  }
0x36: {  	v2 =	vnsel vm1, $0x0, v2;
	p0 =	slt.u32 s17, $0x7C0  }
.Ltmp3:
0x37: {  	s18 =	smov.u32 s15;
	v1 =	vmin.u32 v2, $0x61A7FF;
	(pc) =	sbr.rel @p0 .LBB2_3-.Ltmp3, $3  }
0x38: {  	_ =	sdelay $0x1  }
0x39: {  	s16 =	sadd.s32 $0x10, s16  }
0x3a: {  	vm1 =	vgt.s32 v0, $0x0;
	s15 =	sadd.s32 $0x10, s15;
	v2 =	vmov v0;
	(ifvalue) =	ssetifvalue $0x7FFFFFFF;
	v0 =	vld.msk [tilespmem:s16+$0x0 ss:$0x1], $0xffff  }
.Ltmp4:
0x3b: {  	_ = 	snop;
	(pc) =	sbr.rel .LBB2_4-.Ltmp4, $1  }
0x3c: {  	_ =	sdelay $0x3  }
.LBB2_6:
0x3d: {  	_ =	sfence.sel $0x180000  }
0x3e: {  	s2 =	simm.s32 $0x2;
	[bflag:$0x0] =	sbarrier.arrive $0xFFFF  }
0x3f: {  	s30 =	simm.s32 $0x3;
	[sflag:s2] =	ssyncpa.u1 $0x1  }
0x40: {  	s31 =	simm.s32 $0x1;
	[sflag:s30] =	ssyncpa.u1 $0x1  }
0x41: {  	[sflag:s31] =	ssyncpa.u1 $0x1  }
0x42: {  	p0 =	sne.s32 s1, $0x0;
	_ =	strace $0x9000004D  }
0x43: {  	s0 =	sadd.s32 @!p0 $0x100000, s0;
	[bflag:$0x2] =	sbarrier.arrive $0xFFFF  }
0x44: {  	[sflag:s0] =	ssyncadd.tile.s32 @!p0 $0x1;
	_ =	shalt  }
.Lfunc_end2:
_tile_overlayer_lowered:
.L_overlay_start_2:
0x45: {  	(tag) =	ssettag $0x2  }
0x46: {  	s0 =	rddreg [dreg:$0x0];
	s2 =	stileid.u32  }
0x47: {  	s1 =	rddreg [dreg:$0x1];
	p0 =	sne.s32 s2, $0x0  }
0x48: {  	s3 =	rddreg [dreg:$0x2];
	[bflag:$0x3] =	sbarrier.arrive $0xFFFF;
	s2 =	simm.s32 @!p0 $0x1C01  }
0x49: {  	[timem:s3], [sflag:s2] =	dma.local @!p0 [hbm:s0], s1  }
0x4a: {  	s0 =	simm.s32 @!p0 $0x1  }
0x4b: {  	_ =	swait.ge @!p0 [sflag:s0], s1  }
0x4c: {  	s1 =	ssub.s32 @!p0 $0x0, s1;
	[sflag:s0] =	ssyncset.done @!p0 $0x0  }
0x4d: {  	[sflag:s0] =	ssyncadd.s32 @!p0 s1  }
0x4e: {  	[bflag:$0x3] =	sbarrier.arrive $0xFFFF  }
0x4f: {  	_ =	shalt  }

</sc_bundles>
